<compile_context>
chip_gen: v7x
topology: tpu7x:2x2x1
jax: 0.10.2.dev20260603
libtpu: 0.0.44.dev20260713+nightly
codegen_flags: <defaults>
</compile_context>

<pallas_src>
import functools

import jax
import jax.numpy as jnp
from jax import lax
from jax.experimental import pallas as pl
from jax.experimental.pallas import tpu as pltpu
from jax.experimental.pallas import tpu_sc as plsc


def _sc_gather(idx, table):
    B = idx.shape[0]
    D = table.shape[1]
    info = plsc.get_sparse_core_info()
    nw = info.num_cores * info.num_subcores
    nl = info.num_lanes
    b_per_w = B // nw

    mesh = plsc.VectorSubcoreMesh(core_axis_name="c", subcore_axis_name="s")

    @functools.partial(
        pl.kernel,
        mesh=mesh,
        out_type=jax.ShapeDtypeStruct((B, D), jnp.float32),
        scratch_types=[
            pltpu.VMEM((b_per_w,), jnp.int32),
            pltpu.VMEM((b_per_w, D), jnp.float32),
            pltpu.SemaphoreType.DMA,
        ],
        compiler_params=pltpu.CompilerParams(needs_layout_passes=False),
    )
    def gather_k(idx_hbm, table_hbm, out_hbm, idx_v, rows_v, sem):
        wid = lax.axis_index("s") * info.num_cores + lax.axis_index("c")
        base = wid * b_per_w
        pltpu.sync_copy(idx_hbm.at[pl.ds(base, b_per_w)], idx_v)
        lane = lax.iota(jnp.int32, nl)
        copies = []
        for i in range(b_per_w):
            chunk = idx_v[pl.ds((i // nl) * nl, nl)]
            sel = jnp.where(lane == (i % nl), chunk, 0)
            row = lax.reduce_sum_p.bind(sel, axes=(0,))
            copies.append(
                pltpu.make_async_copy(
                    table_hbm.at[pl.ds(row, 1)], rows_v.at[pl.ds(i, 1)], sem
                )
            )
            copies[-1].start()
        for c in copies:
            c.wait()
        pltpu.sync_copy(rows_v, out_hbm.at[pl.ds(base, b_per_w)])

    return gather_k(idx, table)


def _mmt_body(e_ref, w_ref, b_ref, o_ref, ent_ref):
    @pl.when(pl.program_id(0) == 0)
    def _():
        e = e_ref[...]
        norm = jnp.sqrt(jnp.sum(e * e, axis=1, keepdims=True))
        scale = jnp.minimum(1.0, 1.0 / jnp.maximum(norm, 1e-12))
        en = e * scale
        ent_ref[0:64, :] = en.T
        ent_ref[64:65, :] = jnp.ones((1, en.shape[0]), jnp.float32)

    w_aug = jnp.concatenate([w_ref[...], b_ref[...]], axis=0)
    o_ref[...] = lax.dot_general(
        w_aug,
        ent_ref[...],
        dimension_numbers=(((0,), (0,)), ((), ())),
        preferred_element_type=jnp.float32,
    )


def _tc_project_t(e, w, b2, block_v):
    B, D = e.shape
    V = w.shape[1]
    grid = (pl.cdiv(V, block_v),)
    return pl.pallas_call(
        _mmt_body,
        grid=grid,
        in_specs=[
            pl.BlockSpec((B, D), lambda j: (0, 0)),
            pl.BlockSpec((D, block_v), lambda j: (0, j)),
            pl.BlockSpec((1, block_v), lambda j: (0, j)),
        ],
        out_specs=pl.BlockSpec((block_v, B), lambda j: (j, 0)),
        out_shape=jax.ShapeDtypeStruct((V, B), jnp.float32),
        scratch_shapes=[pltpu.VMEM((D + 1, B), jnp.float32)],
        compiler_params=pltpu.CompilerParams(
            dimension_semantics=("arbitrary",),
        ),
    )(e, w, b2)


def kernel(inputs_, emb_table, W, b):
    idx = inputs_.astype(jnp.int32)
    e = _sc_gather(idx, emb_table)
    out_t = _tc_project_t(e, W, b.reshape(1, -1), block_v=2048)
    return out_t.T

# --- scband reference (transcript-rebuilt; emitter-appended) ---
"""Pipeline reference for scband-skip-gram-model-33294586478816 (READ-ONLY COPY).

The authoritative reference and input builder live on the scoring server;
editing this copy changes nothing except your own understanding.
"""

import jax, jax.numpy as jnp
import numpy as np

VOCAB = 100000
EMBED_DIM = 64
EMBED_MAX_NORM = 1.0


def setup_inputs(seed: int = 0) -> dict:
    key = jax.random.key(seed)
    k1, k2, k3 = jax.random.split(key, 3)
    inputs_ = jax.random.randint(k1, (1024,), 0, VOCAB)
    emb_table = jax.random.normal(k2, (VOCAB, EMBED_DIM), dtype=jnp.float32)
    W = jax.random.normal(k3, (EMBED_DIM, VOCAB), dtype=jnp.float32) * (1.0 / np.sqrt(EMBED_DIM))
    b = jnp.zeros((VOCAB,), dtype=jnp.float32)
    return {"inputs_": inputs_, "emb_table": emb_table, "W": W, "b": b}


def reference(inputs_, emb_table, W, b):
    # nn.Embedding(vocab_size, EMBED_DIM, max_norm=EMBED_MAX_NORM)
    e = jnp.take(emb_table, inputs_, axis=0)
    norm = jnp.linalg.norm(e, axis=-1, keepdims=True)
    scale = jnp.minimum(1.0, EMBED_MAX_NORM / jnp.maximum(norm, 1e-12))
    e = e * scale
    # nn.Linear(EMBED_DIM, vocab_size)
    logits = e @ W + b
    return logits

if __name__ == "__main__":
    import jax
    _d = setup_inputs()
    print(jax.jit(kernel)(*tuple(_d.values())))

</pallas_src>

<mosaic_0001>
#map = affine_map<(d0, d1) -> (0)>
#map1 = affine_map<(d0, d1) -> (0, 0)>
module attributes {stable_mosaic.version = 14 : i64} {
  func.func @gather_k(%arg0: i32, %arg1: i32, %arg2: memref<1024xi32, #tpu.memory_space<hbm>>, %arg3: memref<100000x64xf32, #tpu.memory_space<hbm>>, %arg4: memref<1024x64xf32, #tpu.memory_space<hbm>>, %arg5: memref<32xi32, #tpu.memory_space<vmem>>, %arg6: memref<32x64xf32, #tpu.memory_space<vmem>>, %arg7: memref<!tpu.dma_semaphore, #tpu.memory_space<semaphore_mem>>) attributes {dimension_semantics = [#tpu.dimension_semantics<core_parallel>, #tpu.dimension_semantics<subcore_parallel>], iteration_bounds = array<i64: 2, 16>, scalar_prefetch = 0 : i64, scratch_operands = 3 : i64, tpu.core_type = #tpu.core_type<sc_vector_subcore>, window_params = [{transform_indices = #map}, {transform_indices = #map1}, {transform_indices = #map1}]} {
    %mul3A = arith.constant 2 : i32
    %mul3A_0 = arith.muli %arg1, %mul3A : i32
    %add3A = arith.addi %mul3A_0, %arg0 : i32
    %mul3A_1 = arith.constant 32 : i32
    %mul3A_2 = arith.muli %add3A, %mul3A_1 : i32
    "tpu.region"() ({
      %run_scoped3A = tpu.sem_alloc : memref<!tpu.dma_semaphore, #tpu.memory_space<semaphore_mem>>
      %dma_start3A_1019 = tpu.memref_slice %arg2[%mul3A_2] : memref<1024xi32, #tpu.memory_space<hbm>> -> memref<32xi32, #tpu.memory_space<hbm>>
      %dma_start3A_1020 = tpu.memref_slice %arg2[%mul3A_2] : memref<1024xi32, #tpu.memory_space<hbm>> -> memref<32xi32, #tpu.memory_space<hbm>>
      tpu.enqueue_dma source(%dma_start3A_1020 : memref<32xi32, #tpu.memory_space<hbm>>) target(%arg5 : memref<32xi32, #tpu.memory_space<vmem>>) target_semaphore(%run_scoped3A : memref<!tpu.dma_semaphore, #tpu.memory_space<semaphore_mem>>)
      %dma_wait3A_1021 = tpu.memref_slice %arg2[%mul3A_2] : memref<1024xi32, #tpu.memory_space<hbm>> -> memref<32xi32, #tpu.memory_space<hbm>>
      %dma_wait3A_1022 = tpu.memref_slice %arg2[%mul3A_2] : memref<1024xi32, #tpu.memory_space<hbm>> -> memref<32xi32, #tpu.memory_space<hbm>>
      tpu.wait_dma2 semaphore(%run_scoped3A : memref<!tpu.dma_semaphore, #tpu.memory_space<semaphore_mem>>) src(%dma_wait3A_1022 : memref<32xi32, #tpu.memory_space<hbm>>) dst(%arg5 : memref<32xi32, #tpu.memory_space<vmem>>)
      tpu.yield
    }) : () -> ()
    %iota3A = tpu.iota {dimensions = array<i32: 0>} : vector<16xi32>
    %get3A = arith.constant 0 : index
    %get3A_3 = tpu.vector_load %arg5[%get3A] {strides = array<i32>} : memref<32xi32, #tpu.memory_space<vmem>>, vector<16xi32>,
    %eq3A = arith.constant 0 : i32
    %eq3A_4 = vector.broadcast %eq3A : i32 to vector<16xi32>
    %eq3A_5 = arith.cmpi eq, %iota3A, %eq3A_4 : vector<16xi32>
    %jit3A = arith.constant 0 : i32
    %broadcast_in_dim3A = vector.broadcast %jit3A : i32 to vector<16xi32>
    %select_n3A = arith.select %eq3A_5, %get3A_3, %broadcast_in_dim3A : vector<16xi1>, vector<16xi32>
    %reduce_sum3A = arith.constant true
    %reduce_sum3A_6 = vector.broadcast %reduce_sum3A : i1 to vector<16xi1>
    %reduce_sum3A_7 = tpu.scan <sum>, %select_n3A masked %reduce_sum3A_6 : vector<16xi32>, vector<16xi1> -> vector<16xi32>
    %reduce_sum3A_8 = vector.extract %reduce_sum3A_7[15] : i32 from vector<16xi32>
    %dma_start3A = arith.constant 0 : i32
    %dma_start3A_9 = arith.constant 0 : i32
    %dma_start3A_10 = tpu.memref_slice %arg6[%dma_start3A, %dma_start3A_9] : memref<32x64xf32, #tpu.memory_space<vmem>> -> memref<1x64xf32, #tpu.memory_space<vmem>>
    %dma_start3A_11 = arith.constant 0 : i32
    %dma_start3A_12 = tpu.memref_slice %arg3[%reduce_sum3A_8, %dma_start3A_11] : memref<100000x64xf32, #tpu.memory_space<hbm>> -> memref<1x64xf32, #tpu.memory_space<hbm>>
    %dma_start3A_13 = arith.constant 0 : i32
    %dma_start3A_14 = arith.constant 0 : i32
    %dma_start3A_15 = tpu.memref_slice %arg6[%dma_start3A_13, %dma_start3A_14] : memref<32x64xf32, #tpu.memory_space<vmem>> -> memref<1x64xf32, #tpu.memory_space<vmem>>
    %dma_start3A_16 = arith.constant 0 : i32
    %dma_start3A_17 = tpu.memref_slice %arg3[%reduce_sum3A_8, %dma_start3A_16] : memref<100000x64xf32, #tpu.memory_space<hbm>> -> memref<1x64xf32, #tpu.memory_space<hbm>>
    tpu.enqueue_dma source(%dma_start3A_17 : memref<1x64xf32, #tpu.memory_space<hbm>>) target(%dma_start3A_15 : memref<1x64xf32, #tpu.memory_space<vmem>>) target_semaphore(%arg7 : memref<!tpu.dma_semaphore, #tpu.memory_space<semaphore_mem>>)
    %get3A_18 = arith.constant 0 : index
    %get3A_19 = tpu.vector_load %arg5[%get3A_18] {strides = array<i32>} : memref<32xi32, #tpu.memory_space<vmem>>, vector<16xi32>,
    %eq3A_20 = arith.constant 1 : i32
    %eq3A_21 = vector.broadcast %eq3A_20 : i32 to vector<16xi32>
    %eq3A_22 = arith.cmpi eq, %iota3A, %eq3A_21 : vector<16xi32>
    %jit3A_23 = arith.constant 0 : i32
    %broadcast_in_dim3A_24 = vector.broadcast %jit3A_23 : i32 to vector<16xi32>
    %select_n3A_25 = arith.select %eq3A_22, %get3A_19, %broadcast_in_dim3A_24 : vector<16xi1>, vector<16xi32>
    %reduce_sum3A_26 = arith.constant true
    %reduce_sum3A_27 = vector.broadcast %reduce_sum3A_26 : i1 to vector<16xi1>
    %reduce_sum3A_28 = tpu.scan <sum>, %select_n3A_25 masked %reduce_sum3A_27 : vector<16xi32>, vector<16xi1> -> vector<16xi32>
    %reduce_sum3A_29 = vector.extract %reduce_sum3A_28[15] : i32 from vector<16xi32>
    %dma_start3A_30 = arith.constant 1 : i32
    %dma_start3A_31 = arith.constant 0 : i32
    %dma_start3A_32 = tpu.memref_slice %arg6[%dma_start3A_30, %dma_start3A_31] : memref<32x64xf32, #tpu.memory_space<vmem>> -> memref<1x64xf32, #tpu.memory_space<vmem>>
    %dma_start3A_33 = arith.constant 0 : i32
    %dma_start3A_34 = tpu.memref_slice %arg3[%reduce_sum3A_29, %dma_start3A_33] : memref<100000x64xf32, #tpu.memory_space<hbm>> -> memref<1x64xf32, #tpu.memory_space<hbm>>
    %dma_start3A_35 = arith.constant 1 : i32
    %dma_start3A_36 = arith.constant 0 : i32
    %dma_start3A_37 = tpu.memref_slice %arg6[%dma_start3A_35, %dma_start3A_36] : memref<32x64xf32, #tpu.memory_space<vmem>> -> memref<1x64xf32, #tpu.memory_space<vmem>>
    %dma_start3A_38 = arith.constant 0 : i32
    %dma_start3A_39 = tpu.memref_slice %arg3[%reduce_sum3A_29, %dma_start3A_38] : memref<100000x64xf32, #tpu.memory_space<hbm>> -> memref<1x64xf32, #tpu.memory_space<hbm>>
    tpu.enqueue_dma source(%dma_start3A_39 : memref<1x64xf32, #tpu.memory_space<hbm>>) target(%dma_start3A_37 : memref<1x64xf32, #tpu.memory_space<vmem>>) target_semaphore(%arg7 : memref<!tpu.dma_semaphore, #tpu.memory_space<semaphore_mem>>)
    %get3A_40 = arith.constant 0 : index
    %get3A_41 = tpu.vector_load %arg5[%get3A_40] {strides = array<i32>} : memref<32xi32, #tpu.memory_space<vmem>>, vector<16xi32>,
    %eq3A_42 = arith.constant 2 : i32
    %eq3A_43 = vector.broadcast %eq3A_42 : i32 to vector<16xi32>
    %eq3A_44 = arith.cmpi eq, %iota3A, %eq3A_43 : vector<16xi32>
    %jit3A_45 = arith.constant 0 : i32
    %broadcast_in_dim3A_46 = vector.broadcast %jit3A_45 : i32 to vector<16xi32>
    %select_n3A_47 = arith.select %eq3A_44, %get3A_41, %broadcast_in_dim3A_46 : vector<16xi1>, vector<16xi32>
    %reduce_sum3A_48 = arith.constant true
    %reduce_sum3A_49 = vector.broadcast %reduce_sum3A_48 : i1 to vector<16xi1>
    %reduce_sum3A_50 = tpu.scan <sum>, %select_n3A_47 masked %reduce_sum3A_49 : vector<16xi32>, vector<16xi1> -> vector<16xi32>
    %reduce_sum3A_51 = vector.extract %reduce_sum3A_50[15] : i32 from vector<16xi32>
    %dma_start3A_52 = arith.constant 2 : i32
    %dma_start3A_53 = arith.constant 0 : i32
    %dma_start3A_54 = tpu.memref_slice %arg6[%dma_start3A_52, %dma_start3A_53] : memref<32x64xf32, #tpu.memory_space<vmem>> -> memref<1x64xf32, #tpu.memory_space<vmem>>
    %dma_start3A_55 = arith.constant 0 : i32
    %dma_start3A_56 = tpu.memref_slice %arg3[%reduce_sum3A_51, %dma_start3A_55] : memref<100000x64xf32, #tpu.memory_space<hbm>> -> memref<1x64xf32, #tpu.memory_space<hbm>>
    %dma_start3A_57 = arith.constant 2 : i32
    %dma_start3A_58 = arith.constant 0 : i32
    %dma_start3A_59 = tpu.memref_slice %arg6[%dma_start3A_57, %dma_start3A_58] : memref<32x64xf32, #tpu.memory_space<vmem>> -> memref<1x64xf32, #tpu.memory_space<vmem>>
    %dma_start3A_60 = arith.constant 0 : i32
    %dma_start3A_61 = tpu.memref_slice %arg3[%reduce_sum3A_51, %dma_start3A_60] : memref<100000x64xf32, #tpu.memory_space<hbm>> -> memref<1x64xf32, #tpu.memory_space<hbm>>
    tpu.enqueue_dma source(%dma_start3A_61 : memref<1x64xf32, #tpu.memory_space<hbm>>) target(%dma_start3A_59 : memref<1x64xf32, #tpu.memory_space<vmem>>) target_semaphore(%arg7 : memref<!tpu.dma_semaphore, #tpu.memory_space<semaphore_mem>>)
    %get3A_62 = arith.constant 0 : index
    %get3A_63 = tpu.vector_load %arg5[%get3A_62] {strides = array<i32>} : memref<32xi32, #tpu.memory_space<vmem>>, vector<16xi32>,
    %eq3A_64 = arith.constant 3 : i32
    %eq3A_65 = vector.broadcast %eq3A_64 : i32 to vector<16xi32>
    %eq3A_66 = arith.cmpi eq, %iota3A, %eq3A_65 : vector<16xi32>
    %jit3A_67 = arith.constant 0 : i32
    %broadcast_in_dim3A_68 = vector.broadcast %jit3A_67 : i32 to vector<16xi32>
    %select_n3A_69 = arith.select %eq3A_66, %get3A_63, %broadcast_in_dim3A_68 : vector<16xi1>, vector<16xi32>
    %reduce_sum3A_70 = arith.constant true
    %reduce_sum3A_71 = vector.broadcast %reduce_sum3A_70 : i1 to vector<16xi1>
    %reduce_sum3A_72 = tpu.scan <sum>, %select_n3A_69 masked %reduce_sum3A_71 : vector<16xi32>, vector<16xi1> -> vector<16xi32>
    %reduce_sum3A_73 = vector.extract %reduce_sum3A_72[15] : i32 from vector<16xi32>
    %dma_start3A_74 = arith.constant 3 : i32
    %dma_start3A_75 = arith.constant 0 : i32
    %dma_start3A_76 = tpu.memref_slice %arg6[%dma_start3A_74, %dma_start3A_75] : memref<32x64xf32, #tpu.memory_space<vmem>> -> memref<1x64xf32, #tpu.memory_space<vmem>>
    %dma_start3A_77 = arith.constant 0 : i32
    %dma_start3A_78 = tpu.memref_slice %arg3[%reduce_sum3A_73, %dma_start3A_77] : memref<100000x64xf32, #tpu.memory_space<hbm>> -> memref<1x64xf32, #tpu.memory_space<hbm>>
    %dma_start3A_79 = arith.constant 3 : i32
    %dma_start3A_80 = arith.constant 0 : i32
    %dma_start3A_81 = tpu.memref_slice %arg6[%dma_start3A_79, %dma_start3A_80] : memref<32x64xf32, #tpu.memory_space<vmem>> -> memref<1x64xf32, #tpu.memory_space<vmem>>
    %dma_start3A_82 = arith.constant 0 : i32
    %dma_start3A_83 = tpu.memref_slice %arg3[%reduce_sum3A_73, %dma_start3A_82] : memref<100000x64xf32, #tpu.memory_space<hbm>> -> memref<1x64xf32, #tpu.memory_space<hbm>>
    tpu.enqueue_dma source(%dma_start3A_83 : memref<1x64xf32, #tpu.memory_space<hbm>>) target(%dma_start3A_81 : memref<1x64xf32, #tpu.memory_space<vmem>>) target_semaphore(%arg7 : memref<!tpu.dma_semaphore, #tpu.memory_space<semaphore_mem>>)
    %get3A_84 = arith.constant 0 : index
    %get3A_85 = tpu.vector_load %arg5[%get3A_84] {strides = array<i32>} : memref<32xi32, #tpu.memory_space<vmem>>, vector<16xi32>,
    %eq3A_86 = arith.constant 4 : i32
    %eq3A_87 = vector.broadcast %eq3A_86 : i32 to vector<16xi32>
    %eq3A_88 = arith.cmpi eq, %iota3A, %eq3A_87 : vector<16xi32>
    %jit3A_89 = arith.constant 0 : i32
    %broadcast_in_dim3A_90 = vector.broadcast %jit3A_89 : i32 to vector<16xi32>
    %select_n3A_91 = arith.select %eq3A_88, %get3A_85, %broadcast_in_dim3A_90 : vector<16xi1>, vector<16xi32>
    %reduce_sum3A_92 = arith.constant true
    %reduce_sum3A_93 = vector.broadcast %reduce_sum3A_92 : i1 to vector<16xi1>
    %reduce_sum3A_94 = tpu.scan <sum>, %select_n3A_91 masked %reduce_sum3A_93 : vector<16xi32>, vector<16xi1> -> vector<16xi32>
    %reduce_sum3A_95 = vector.extract %reduce_sum3A_94[15] : i32 from vector<16xi32>
    %dma_start3A_96 = arith.constant 4 : i32
    %dma_start3A_97 = arith.constant 0 : i32
    %dma_start3A_98 = tpu.memref_slice %arg6[%dma_start3A_96, %dma_start3A_97] : memref<32x64xf32, #tpu.memory_space<vmem>> -> memref<1x64xf32, #tpu.memory_space<vmem>>
    %dma_start3A_99 = arith.constant 0 : i32
    %dma_start3A_100 = tpu.memref_slice %arg3[%reduce_sum3A_95, %dma_start3A_99] : memref<100000x64xf32, #tpu.memory_space<hbm>> -> memref<1x64xf32, #tpu.memory_space<hbm>>
    %dma_start3A_101 = arith.constant 4 : i32
    %dma_start3A_102 = arith.constant 0 : i32
    %dma_start3A_103 = tpu.memref_slice %arg6[%dma_start3A_101, %dma_start3A_102] : memref<32x64xf32, #tpu.memory_space<vmem>> -> memref<1x64xf32, #tpu.memory_space<vmem>>
    %dma_start3A_104 = arith.constant 0 : i32
    %dma_start3A_105 = tpu.memref_slice %arg3[%reduce_sum3A_95, %dma_start3A_104] : memref<100000x64xf32, #tpu.memory_space<hbm>> -> memref<1x64xf32, #tpu.memory_space<hbm>>
    tpu.enqueue_dma source(%dma_start3A_105 : memref<1x64xf32, #tpu.memory_space<hbm>>) target(%dma_start3A_103 : memref<1x64xf32, #tpu.memory_space<vmem>>) target_semaphore(%arg7 : memref<!tpu.dma_semaphore, #tpu.memory_space<semaphore_mem>>)
    %get3A_106 = arith.constant 0 : index
    %get3A_107 = tpu.vector_load %arg5[%get3A_106] {strides = array<i32>} : memref<32xi32, #tpu.memory_space<vmem>>, vector<16xi32>,
    %eq3A_108 = arith.constant 5 : i32
    %eq3A_109 = vector.broadcast %eq3A_108 : i32 to vector<16xi32>
    %eq3A_110 = arith.cmpi eq, %iota3A, %eq3A_109 : vector<16xi32>
    %jit3A_111 = arith.constant 0 : i32
    %broadcast_in_dim3A_112 = vector.broadcast %jit3A_111 : i32 to vector<16xi32>
    %select_n3A_113 = arith.select %eq3A_110, %get3A_107, %broadcast_in_dim3A_112 : vector<16xi1>, vector<16xi32>
    %reduce_sum3A_114 = arith.constant true
    %reduce_sum3A_115 = vector.broadcast %reduce_sum3A_114 : i1 to vector<16xi1>
    %reduce_sum3A_116 = tpu.scan <sum>, %select_n3A_113 masked %reduce_sum3A_115 : vector<16xi32>, vector<16xi1> -> vector<16xi32>
    %reduce_sum3A_117 = vector.extract %reduce_sum3A_116[15] : i32 from vector<16xi32>
    %dma_start3A_118 = arith.constant 5 : i32
    %dma_start3A_119 = arith.constant 0 : i32
    %dma_start3A_120 = tpu.memref_slice %arg6[%dma_start3A_118, %dma_start3A_119] : memref<32x64xf32, #tpu.memory_space<vmem>> -> memref<1x64xf32, #tpu.memory_space<vmem>>
    %dma_start3A_121 = arith.constant 0 : i32
    %dma_start3A_122 = tpu.memref_slice %arg3[%reduce_sum3A_117, %dma_start3A_121] : memref<100000x64xf32, #tpu.memory_space<hbm>> -> memref<1x64xf32, #tpu.memory_space<hbm>>
    %dma_start3A_123 = arith.constant 5 : i32
    %dma_start3A_124 = arith.constant 0 : i32
    %dma_start3A_125 = tpu.memref_slice %arg6[%dma_start3A_123, %dma_start3A_124] : memref<32x64xf32, #tpu.memory_space<vmem>> -> memref<1x64xf32, #tpu.memory_space<vmem>>
    %dma_start3A_126 = arith.constant 0 : i32
    %dma_start3A_127 = tpu.memref_slice %arg3[%reduce_sum3A_117, %dma_start3A_126] : memref<100000x64xf32, #tpu.memory_space<hbm>> -> memref<1x64xf32, #tpu.memory_space<hbm>>
    tpu.enqueue_dma source(%dma_start3A_127 : memref<1x64xf32, #tpu.memory_space<hbm>>) target(%dma_start3A_125 : memref<1x64xf32, #tpu.memory_space<vmem>>) target_semaphore(%arg7 : memref<!tpu.dma_semaphore, #tpu.memory_space<semaphore_mem>>)
    %get3A_128 = arith.constant 0 : index
    %get3A_129 = tpu.vector_load %arg5[%get3A_128] {strides = array<i32>} : memref<32xi32, #tpu.memory_space<vmem>>, vector<16xi32>,
    %eq3A_130 = arith.constant 6 : i32
    %eq3A_131 = vector.broadcast %eq3A_130 : i32 to vector<16xi32>
    %eq3A_132 = arith.cmpi eq, %iota3A, %eq3A_131 : vector<16xi32>
    %jit3A_133 = arith.constant 0 : i32
    %broadcast_in_dim3A_134 = vector.broadcast %jit3A_133 : i32 to vector<16xi32>
    %select_n3A_135 = arith.select %eq3A_132, %get3A_129, %broadcast_in_dim3A_134 : vector<16xi1>, vector<16xi32>
    %reduce_sum3A_136 = arith.constant true
    %reduce_sum3A_137 = vector.broadcast %reduce_sum3A_136 : i1 to vector<16xi1>
    %reduce_sum3A_138 = tpu.scan <sum>, %select_n3A_135 masked %reduce_sum3A_137 : vector<16xi32>, vector<16xi1> -> vector<16xi32>
    %reduce_sum3A_139 = vector.extract %reduce_sum3A_138[15] : i32 from vector<16xi32>
    %dma_start3A_140 = arith.constant 6 : i32
    %dma_start3A_141 = arith.constant 0 : i32
    %dma_start3A_142 = tpu.memref_slice %arg6[%dma_start3A_140, %dma_start3A_141] : memref<32x64xf32, #tpu.memory_space<vmem>> -> memref<1x64xf32, #tpu.memory_space<vmem>>
    %dma_start3A_143 = arith.constant 0 : i32
    %dma_start3A_144 = tpu.memref_slice %arg3[%reduce_sum3A_139, %dma_start3A_143] : memref<100000x64xf32, #tpu.memory_space<hbm>> -> memref<1x64xf32, #tpu.memory_space<hbm>>
    %dma_start3A_145 = arith.constant 6 : i32
    %dma_start3A_146 = arith.constant 0 : i32
    %dma_start3A_147 = tpu.memref_slice %arg6[%dma_start3A_145, %dma_start3A_146] : memref<32x64xf32, #tpu.memory_space<vmem>> -> memref<1x64xf32, #tpu.memory_space<vmem>>
    %dma_start3A_148 = arith.constant 0 : i32
    %dma_start3A_149 = tpu.memref_slice %arg3[%reduce_sum3A_139, %dma_start3A_148] : memref<100000x64xf32, #tpu.memory_space<hbm>> -> memref<1x64xf32, #tpu.memory_space<hbm>>
    tpu.enqueue_dma source(%dma_start3A_149 : memref<1x64xf32, #tpu.memory_space<hbm>>) target(%dma_start3A_147 : memref<1x64xf32, #tpu.memory_space<vmem>>) target_semaphore(%arg7 : memref<!tpu.dma_semaphore, #tpu.memory_space<semaphore_mem>>)
    %get3A_150 = arith.constant 0 : index
    %get3A_151 = tpu.vector_load %arg5[%get3A_150] {strides = array<i32>} : memref<32xi32, #tpu.memory_space<vmem>>, vector<16xi32>,
    %eq3A_152 = arith.constant 7 : i32
    %eq3A_153 = vector.broadcast %eq3A_152 : i32 to vector<16xi32>
    %eq3A_154 = arith.cmpi eq, %iota3A, %eq3A_153 : vector<16xi32>
    %jit3A_155 = arith.constant 0 : i32
    %broadcast_in_dim3A_156 = vector.broadcast %jit3A_155 : i32 to vector<16xi32>
    %select_n3A_157 = arith.select %eq3A_154, %get3A_151, %broadcast_in_dim3A_156 : vector<16xi1>, vector<16xi32>
    %reduce_sum3A_158 = arith.constant true
    %reduce_sum3A_159 = vector.broadcast %reduce_sum3A_158 : i1 to vector<16xi1>
    %reduce_sum3A_160 = tpu.scan <sum>, %select_n3A_157 masked %reduce_sum3A_159 : vector<16xi32>, vector<16xi1> -> vector<16xi32>
    %reduce_sum3A_161 = vector.extract %reduce_sum3A_160[15] : i32 from vector<16xi32>
    %dma_start3A_162 = arith.constant 7 : i32
    %dma_start3A_163 = arith.constant 0 : i32
    %dma_start3A_164 = tpu.memref_slice %arg6[%dma_start3A_162, %dma_start3A_163] : memref<32x64xf32, #tpu.memory_space<vmem>> -> memref<1x64xf32, #tpu.memory_space<vmem>>
    %dma_start3A_165 = arith.constant 0 : i32
    %dma_start3A_166 = tpu.memref_slice %arg3[%reduce_sum3A_161, %dma_start3A_165] : memref<100000x64xf32, #tpu.memory_space<hbm>> -> memref<1x64xf32, #tpu.memory_space<hbm>>
    %dma_start3A_167 = arith.constant 7 : i32
    %dma_start3A_168 = arith.constant 0 : i32
    %dma_start3A_169 = tpu.memref_slice %arg6[%dma_start3A_167, %dma_start3A_168] : memref<32x64xf32, #tpu.memory_space<vmem>> -> memref<1x64xf32, #tpu.memory_space<vmem>>
    %dma_start3A_170 = arith.constant 0 : i32
    %dma_start3A_171 = tpu.memref_slice %arg3[%reduce_sum3A_161, %dma_start3A_170] : memref<100000x64xf32, #tpu.memory_space<hbm>> -> memref<1x64xf32, #tpu.memory_space<hbm>>
    tpu.enqueue_dma source(%dma_start3A_171 : memref<1x64xf32, #tpu.memory_space<hbm>>) target(%dma_start3A_169 : memref<1x64xf32, #tpu.memory_space<vmem>>) target_semaphore(%arg7 : memref<!tpu.dma_semaphore, #tpu.memory_space<semaphore_mem>>)
    %get3A_172 = arith.constant 0 : index
    %get3A_173 = tpu.vector_load %arg5[%get3A_172] {strides = array<i32>} : memref<32xi32, #tpu.memory_space<vmem>>, vector<16xi32>,
    %eq3A_174 = arith.constant 8 : i32
    %eq3A_175 = vector.broadcast %eq3A_174 : i32 to vector<16xi32>
    %eq3A_176 = arith.cmpi eq, %iota3A, %eq3A_175 : vector<16xi32>
    %jit3A_177 = arith.constant 0 : i32
    %broadcast_in_dim3A_178 = vector.broadcast %jit3A_177 : i32 to vector<16xi32>
    %select_n3A_179 = arith.select %eq3A_176, %get3A_173, %broadcast_in_dim3A_178 : vector<16xi1>, vector<16xi32>
    %reduce_sum3A_180 = arith.constant true
    %reduce_sum3A_181 = vector.broadcast %reduce_sum3A_180 : i1 to vector<16xi1>
    %reduce_sum3A_182 = tpu.scan <sum>, %select_n3A_179 masked %reduce_sum3A_181 : vector<16xi32>, vector<16xi1> -> vector<16xi32>
    %reduce_sum3A_183 = vector.extract %reduce_sum3A_182[15] : i32 from vector<16xi32>
    %dma_start3A_184 = arith.constant 8 : i32
    %dma_start3A_185 = arith.constant 0 : i32
    %dma_start3A_186 = tpu.memref_slice %arg6[%dma_start3A_184, %dma_start3A_185] : memref<32x64xf32, #tpu.memory_space<vmem>> -> memref<1x64xf32, #tpu.memory_space<vmem>>
    %dma_start3A_187 = arith.constant 0 : i32
    %dma_start3A_188 = tpu.memref_slice %arg3[%reduce_sum3A_183, %dma_start3A_187] : memref<100000x64xf32, #tpu.memory_space<hbm>> -> memref<1x64xf32, #tpu.memory_space<hbm>>
    %dma_start3A_189 = arith.constant 8 : i32
    %dma_start3A_190 = arith.constant 0 : i32
    %dma_start3A_191 = tpu.memref_slice %arg6[%dma_start3A_189, %dma_start3A_190] : memref<32x64xf32, #tpu.memory_space<vmem>> -> memref<1x64xf32, #tpu.memory_space<vmem>>
    %dma_start3A_192 = arith.constant 0 : i32
    %dma_start3A_193 = tpu.memref_slice %arg3[%reduce_sum3A_183, %dma_start3A_192] : memref<100000x64xf32, #tpu.memory_space<hbm>> -> memref<1x64xf32, #tpu.memory_space<hbm>>
    tpu.enqueue_dma source(%dma_start3A_193 : memref<1x64xf32, #tpu.memory_space<hbm>>) target(%dma_start3A_191 : memref<1x64xf32, #tpu.memory_space<vmem>>) target_semaphore(%arg7 : memref<!tpu.dma_semaphore, #tpu.memory_space<semaphore_mem>>)
    %get3A_194 = arith.constant 0 : index
    %get3A_195 = tpu.vector_load %arg5[%get3A_194] {strides = array<i32>} : memref<32xi32, #tpu.memory_space<vmem>>, vector<16xi32>,
    %eq3A_196 = arith.constant 9 : i32
    %eq3A_197 = vector.broadcast %eq3A_196 : i32 to vector<16xi32>
    %eq3A_198 = arith.cmpi eq, %iota3A, %eq3A_197 : vector<16xi32>
    %jit3A_199 = arith.constant 0 : i32
    %broadcast_in_dim3A_200 = vector.broadcast %jit3A_199 : i32 to vector<16xi32>
    %select_n3A_201 = arith.select %eq3A_198, %get3A_195, %broadcast_in_dim3A_200 : vector<16xi1>, vector<16xi32>
    %reduce_sum3A_202 = arith.constant true
    %reduce_sum3A_203 = vector.broadcast %reduce_sum3A_202 : i1 to vector<16xi1>
    %reduce_sum3A_204 = tpu.scan <sum>, %select_n3A_201 masked %reduce_sum3A_203 : vector<16xi32>, vector<16xi1> -> vector<16xi32>
    %reduce_sum3A_205 = vector.extract %reduce_sum3A_204[15] : i32 from vector<16xi32>
    %dma_start3A_206 = arith.constant 9 : i32
    %dma_start3A_207 = arith.constant 0 : i32
    %dma_start3A_208 = tpu.memref_slice %arg6[%dma_start3A_206, %dma_start3A_207] : memref<32x64xf32, #tpu.memory_space<vmem>> -> memref<1x64xf32, #tpu.memory_space<vmem>>
    %dma_start3A_209 = arith.constant 0 : i32
    %dma_start3A_210 = tpu.memref_slice %arg3[%reduce_sum3A_205, %dma_start3A_209] : memref<100000x64xf32, #tpu.memory_space<hbm>> -> memref<1x64xf32, #tpu.memory_space<hbm>>
    %dma_start3A_211 = arith.constant 9 : i32
    %dma_start3A_212 = arith.constant 0 : i32
    %dma_start3A_213 = tpu.memref_slice %arg6[%dma_start3A_211, %dma_start3A_212] : memref<32x64xf32, #tpu.memory_space<vmem>> -> memref<1x64xf32, #tpu.memory_space<vmem>>
    %dma_start3A_214 = arith.constant 0 : i32
    %dma_start3A_215 = tpu.memref_slice %arg3[%reduce_sum3A_205, %dma_start3A_214] : memref<100000x64xf32, #tpu.memory_space<hbm>> -> memref<1x64xf32, #tpu.memory_space<hbm>>
    tpu.enqueue_dma source(%dma_start3A_215 : memref<1x64xf32, #tpu.memory_space<hbm>>) target(%dma_start3A_213 : memref<1x64xf32, #tpu.memory_space<vmem>>) target_semaphore(%arg7 : memref<!tpu.dma_semaphore, #tpu.memory_space<semaphore_mem>>)
    %get3A_216 = arith.constant 0 : index
    %get3A_217 = tpu.vector_load %arg5[%get3A_216] {strides = array<i32>} : memref<32xi32, #tpu.memory_space<vmem>>, vector<16xi32>,
    %eq3A_218 = arith.constant 10 : i32
    %eq3A_219 = vector.broadcast %eq3A_218 : i32 to vector<16xi32>
    %eq3A_220 = arith.cmpi eq, %iota3A, %eq3A_219 : vector<16xi32>
    %jit3A_221 = arith.constant 0 : i32
    %broadcast_in_dim3A_222 = vector.broadcast %jit3A_221 : i32 to vector<16xi32>
    %select_n3A_223 = arith.select %eq3A_220, %get3A_217, %broadcast_in_dim3A_222 : vector<16xi1>, vector<16xi32>
    %reduce_sum3A_224 = arith.constant true
    %reduce_sum3A_225 = vector.broadcast %reduce_sum3A_224 : i1 to vector<16xi1>
    %reduce_sum3A_226 = tpu.scan <sum>, %select_n3A_223 masked %reduce_sum3A_225 : vector<16xi32>, vector<16xi1> -> vector<16xi32>
    %reduce_sum3A_227 = vector.extract %reduce_sum3A_226[15] : i32 from vector<16xi32>
    %dma_start3A_228 = arith.constant 10 : i32
    %dma_start3A_229 = arith.constant 0 : i32
    %dma_start3A_230 = tpu.memref_slice %arg6[%dma_start3A_228, %dma_start3A_229] : memref<32x64xf32, #tpu.memory_space<vmem>> -> memref<1x64xf32, #tpu.memory_space<vmem>>
    %dma_start3A_231 = arith.constant 0 : i32
    %dma_start3A_232 = tpu.memref_slice %arg3[%reduce_sum3A_227, %dma_start3A_231] : memref<100000x64xf32, #tpu.memory_space<hbm>> -> memref<1x64xf32, #tpu.memory_space<hbm>>
    %dma_start3A_233 = arith.constant 10 : i32
    %dma_start3A_234 = arith.constant 0 : i32
    %dma_start3A_235 = tpu.memref_slice %arg6[%dma_start3A_233, %dma_start3A_234] : memref<32x64xf32, #tpu.memory_space<vmem>> -> memref<1x64xf32, #tpu.memory_space<vmem>>
    %dma_start3A_236 = arith.constant 0 : i32
    %dma_start3A_237 = tpu.memref_slice %arg3[%reduce_sum3A_227, %dma_start3A_236] : memref<100000x64xf32, #tpu.memory_space<hbm>> -> memref<1x64xf32, #tpu.memory_space<hbm>>
    tpu.enqueue_dma source(%dma_start3A_237 : memref<1x64xf32, #tpu.memory_space<hbm>>) target(%dma_start3A_235 : memref<1x64xf32, #tpu.memory_space<vmem>>) target_semaphore(%arg7 : memref<!tpu.dma_semaphore, #tpu.memory_space<semaphore_mem>>)
    %get3A_238 = arith.constant 0 : index
    %get3A_239 = tpu.vector_load %arg5[%get3A_238] {strides = array<i32>} : memref<32xi32, #tpu.memory_space<vmem>>, vector<16xi32>,
    %eq3A_240 = arith.constant 11 : i32
    %eq3A_241 = vector.broadcast %eq3A_240 : i32 to vector<16xi32>
    %eq3A_242 = arith.cmpi eq, %iota3A, %eq3A_241 : vector<16xi32>
    %jit3A_243 = arith.constant 0 : i32
    %broadcast_in_dim3A_244 = vector.broadcast %jit3A_243 : i32 to vector<16xi32>
    %select_n3A_245 = arith.select %eq3A_242, %get3A_239, %broadcast_in_dim3A_244 : vector<16xi1>, vector<16xi32>
    %reduce_sum3A_246 = arith.constant true
    %reduce_sum3A_247 = vector.broadcast %reduce_sum3A_246 : i1 to vector<16xi1>
    %reduce_sum3A_248 = tpu.scan <sum>, %select_n3A_245 masked %reduce_sum3A_247 : vector<16xi32>, vector<16xi1> -> vector<16xi32>
    %reduce_sum3A_249 = vector.extract %reduce_sum3A_248[15] : i32 from vector<16xi32>
    %dma_start3A_250 = arith.constant 11 : i32
    %dma_start3A_251 = arith.constant 0 : i32
    %dma_start3A_252 = tpu.memref_slice %arg6[%dma_start3A_250, %dma_start3A_251] : memref<32x64xf32, #tpu.memory_space<vmem>> -> memref<1x64xf32, #tpu.memory_space<vmem>>
    %dma_start3A_253 = arith.constant 0 : i32
    %dma_start3A_254 = tpu.memref_slice %arg3[%reduce_sum3A_249, %dma_start3A_253] : memref<100000x64xf32, #tpu.memory_space<hbm>> -> memref<1x64xf32, #tpu.memory_space<hbm>>
    %dma_start3A_255 = arith.constant 11 : i32
    %dma_start3A_256 = arith.constant 0 : i32
    %dma_start3A_257 = tpu.memref_slice %arg6[%dma_start3A_255, %dma_start3A_256] : memref<32x64xf32, #tpu.memory_space<vmem>> -> memref<1x64xf32, #tpu.memory_space<vmem>>
    %dma_start3A_258 = arith.constant 0 : i32
    %dma_start3A_259 = tpu.memref_slice %arg3[%reduce_sum3A_249, %dma_start3A_258] : memref<100000x64xf32, #tpu.memory_space<hbm>> -> memref<1x64xf32, #tpu.memory_space<hbm>>
    tpu.enqueue_dma source(%dma_start3A_259 : memref<1x64xf32, #tpu.memory_space<hbm>>) target(%dma_start3A_257 : memref<1x64xf32, #tpu.memory_space<vmem>>) target_semaphore(%arg7 : memref<!tpu.dma_semaphore, #tpu.memory_space<semaphore_mem>>)
    %get3A_260 = arith.constant 0 : index
    %get3A_261 = tpu.vector_load %arg5[%get3A_260] {strides = array<i32>} : memref<32xi32, #tpu.memory_space<vmem>>, vector<16xi32>,
    %eq3A_262 = arith.constant 12 : i32
    %eq3A_263 = vector.broadcast %eq3A_262 : i32 to vector<16xi32>
    %eq3A_264 = arith.cmpi eq, %iota3A, %eq3A_263 : vector<16xi32>
    %jit3A_265 = arith.constant 0 : i32
    %broadcast_in_dim3A_266 = vector.broadcast %jit3A_265 : i32 to vector<16xi32>
    %select_n3A_267 = arith.select %eq3A_264, %get3A_261, %broadcast_in_dim3A_266 : vector<16xi1>, vector<16xi32>
    %reduce_sum3A_268 = arith.constant true
    %reduce_sum3A_269 = vector.broadcast %reduce_sum3A_268 : i1 to vector<16xi1>
    %reduce_sum3A_270 = tpu.scan <sum>, %select_n3A_267 masked %reduce_sum3A_269 : vector<16xi32>, vector<16xi1> -> vector<16xi32>
    %reduce_sum3A_271 = vector.extract %reduce_sum3A_270[15] : i32 from vector<16xi32>
    %dma_start3A_272 = arith.constant 12 : i32
    %dma_start3A_273 = arith.constant 0 : i32
    %dma_start3A_274 = tpu.memref_slice %arg6[%dma_start3A_272, %dma_start3A_273] : memref<32x64xf32, #tpu.memory_space<vmem>> -> memref<1x64xf32, #tpu.memory_space<vmem>>
    %dma_start3A_275 = arith.constant 0 : i32
    %dma_start3A_276 = tpu.memref_slice %arg3[%reduce_sum3A_271, %dma_start3A_275] : memref<100000x64xf32, #tpu.memory_space<hbm>> -> memref<1x64xf32, #tpu.memory_space<hbm>>
    %dma_start3A_277 = arith.constant 12 : i32
    %dma_start3A_278 = arith.constant 0 : i32
    %dma_start3A_279 = tpu.memref_slice %arg6[%dma_start3A_277, %dma_start3A_278] : memref<32x64xf32, #tpu.memory_space<vmem>> -> memref<1x64xf32, #tpu.memory_space<vmem>>
    %dma_start3A_280 = arith.constant 0 : i32
    %dma_start3A_281 = tpu.memref_slice %arg3[%reduce_sum3A_271, %dma_start3A_280] : memref<100000x64xf32, #tpu.memory_space<hbm>> -> memref<1x64xf32, #tpu.memory_space<hbm>>
    tpu.enqueue_dma source(%dma_start3A_281 : memref<1x64xf32, #tpu.memory_space<hbm>>) target(%dma_start3A_279 : memref<1x64xf32, #tpu.memory_space<vmem>>) target_semaphore(%arg7 : memref<!tpu.dma_semaphore, #tpu.memory_space<semaphore_mem>>)
    %get3A_282 = arith.constant 0 : index
    %get3A_283 = tpu.vector_load %arg5[%get3A_282] {strides = array<i32>} : memref<32xi32, #tpu.memory_space<vmem>>, vector<16xi32>,
    %eq3A_284 = arith.constant 13 : i32
    %eq3A_285 = vector.broadcast %eq3A_284 : i32 to vector<16xi32>
    %eq3A_286 = arith.cmpi eq, %iota3A, %eq3A_285 : vector<16xi32>
    %jit3A_287 = arith.constant 0 : i32
    %broadcast_in_dim3A_288 = vector.broadcast %jit3A_287 : i32 to vector<16xi32>
    %select_n3A_289 = arith.select %eq3A_286, %get3A_283, %broadcast_in_dim3A_288 : vector<16xi1>, vector<16xi32>
    %reduce_sum3A_290 = arith.constant true
    %reduce_sum3A_291 = vector.broadcast %reduce_sum3A_290 : i1 to vector<16xi1>
    %reduce_sum3A_292 = tpu.scan <sum>, %select_n3A_289 masked %reduce_sum3A_291 : vector<16xi32>, vector<16xi1> -> vector<16xi32>
    %reduce_sum3A_293 = vector.extract %reduce_sum3A_292[15] : i32 from vector<16xi32>
    %dma_start3A_294 = arith.constant 13 : i32
    %dma_start3A_295 = arith.constant 0 : i32
    %dma_start3A_296 = tpu.memref_slice %arg6[%dma_start3A_294, %dma_start3A_295] : memref<32x64xf32, #tpu.memory_space<vmem>> -> memref<1x64xf32, #tpu.memory_space<vmem>>
    %dma_start3A_297 = arith.constant 0 : i32
    %dma_start3A_298 = tpu.memref_slice %arg3[%reduce_sum3A_293, %dma_start3A_297] : memref<100000x64xf32, #tpu.memory_space<hbm>> -> memref<1x64xf32, #tpu.memory_space<hbm>>
    %dma_start3A_299 = arith.constant 13 : i32
    %dma_start3A_300 = arith.constant 0 : i32
    %dma_start3A_301 = tpu.memref_slice %arg6[%dma_start3A_299, %dma_start3A_300] : memref<32x64xf32, #tpu.memory_space<vmem>> -> memref<1x64xf32, #tpu.memory_space<vmem>>
    %dma_start3A_302 = arith.constant 0 : i32
    %dma_start3A_303 = tpu.memref_slice %arg3[%reduce_sum3A_293, %dma_start3A_302] : memref<100000x64xf32, #tpu.memory_space<hbm>> -> memref<1x64xf32, #tpu.memory_space<hbm>>
    tpu.enqueue_dma source(%dma_start3A_303 : memref<1x64xf32, #tpu.memory_space<hbm>>) target(%dma_start3A_301 : memref<1x64xf32, #tpu.memory_space<vmem>>) target_semaphore(%arg7 : memref<!tpu.dma_semaphore, #tpu.memory_space<semaphore_mem>>)
    %get3A_304 = arith.constant 0 : index
    %get3A_305 = tpu.vector_load %arg5[%get3A_304] {strides = array<i32>} : memref<32xi32, #tpu.memory_space<vmem>>, vector<16xi32>,
    %eq3A_306 = arith.constant 14 : i32
    %eq3A_307 = vector.broadcast %eq3A_306 : i32 to vector<16xi32>
    %eq3A_308 = arith.cmpi eq, %iota3A, %eq3A_307 : vector<16xi32>
    %jit3A_309 = arith.constant 0 : i32
    %broadcast_in_dim3A_310 = vector.broadcast %jit3A_309 : i32 to vector<16xi32>
    %select_n3A_311 = arith.select %eq3A_308, %get3A_305, %broadcast_in_dim3A_310 : vector<16xi1>, vector<16xi32>
    %reduce_sum3A_312 = arith.constant true
    %reduce_sum3A_313 = vector.broadcast %reduce_sum3A_312 : i1 to vector<16xi1>
    %reduce_sum3A_314 = tpu.scan <sum>, %select_n3A_311 masked %reduce_sum3A_313 : vector<16xi32>, vector<16xi1> -> vector<16xi32>
    %reduce_sum3A_315 = vector.extract %reduce_sum3A_314[15] : i32 from vector<16xi32>
    %dma_start3A_316 = arith.constant 14 : i32
    %dma_start3A_317 = arith.constant 0 : i32
    %dma_start3A_318 = tpu.memref_slice %arg6[%dma_start3A_316, %dma_start3A_317] : memref<32x64xf32, #tpu.memory_space<vmem>> -> memref<1x64xf32, #tpu.memory_space<vmem>>
    %dma_start3A_319 = arith.constant 0 : i32
    %dma_start3A_320 = tpu.memref_slice %arg3[%reduce_sum3A_315, %dma_start3A_319] : memref<100000x64xf32, #tpu.memory_space<hbm>> -> memref<1x64xf32, #tpu.memory_space<hbm>>
    %dma_start3A_321 = arith.constant 14 : i32
    %dma_start3A_322 = arith.constant 0 : i32
    %dma_start3A_323 = tpu.memref_slice %arg6[%dma_start3A_321, %dma_start3A_322] : memref<32x64xf32, #tpu.memory_space<vmem>> -> memref<1x64xf32, #tpu.memory_space<vmem>>
    %dma_start3A_324 = arith.constant 0 : i32
    %dma_start3A_325 = tpu.memref_slice %arg3[%reduce_sum3A_315, %dma_start3A_324] : memref<100000x64xf32, #tpu.memory_space<hbm>> -> memref<1x64xf32, #tpu.memory_space<hbm>>
    tpu.enqueue_dma source(%dma_start3A_325 : memref<1x64xf32, #tpu.memory_space<hbm>>) target(%dma_start3A_323 : memref<1x64xf32, #tpu.memory_space<vmem>>) target_semaphore(%arg7 : memref<!tpu.dma_semaphore, #tpu.memory_space<semaphore_mem>>)
    %get3A_326 = arith.constant 0 : index
    %get3A_327 = tpu.vector_load %arg5[%get3A_326] {strides = array<i32>} : memref<32xi32, #tpu.memory_space<vmem>>, vector<16xi32>,
    %eq3A_328 = arith.constant 15 : i32
    %eq3A_329 = vector.broadcast %eq3A_328 : i32 to vector<16xi32>
    %eq3A_330 = arith.cmpi eq, %iota3A, %eq3A_329 : vector<16xi32>
    %jit3A_331 = arith.constant 0 : i32
    %broadcast_in_dim3A_332 = vector.broadcast %jit3A_331 : i32 to vector<16xi32>
    %select_n3A_333 = arith.select %eq3A_330, %get3A_327, %broadcast_in_dim3A_332 : vector<16xi1>, vector<16xi32>
    %reduce_sum3A_334 = arith.constant true
    %reduce_sum3A_335 = vector.broadcast %reduce_sum3A_334 : i1 to vector<16xi1>
    %reduce_sum3A_336 = tpu.scan <sum>, %select_n3A_333 masked %reduce_sum3A_335 : vector<16xi32>, vector<16xi1> -> vector<16xi32>
    %reduce_sum3A_337 = vector.extract %reduce_sum3A_336[15] : i32 from vector<16xi32>
    %dma_start3A_338 = arith.constant 15 : i32
    %dma_start3A_339 = arith.constant 0 : i32
    %dma_start3A_340 = tpu.memref_slice %arg6[%dma_start3A_338, %dma_start3A_339] : memref<32x64xf32, #tpu.memory_space<vmem>> -> memref<1x64xf32, #tpu.memory_space<vmem>>
    %dma_start3A_341 = arith.constant 0 : i32
    %dma_start3A_342 = tpu.memref_slice %arg3[%reduce_sum3A_337, %dma_start3A_341] : memref<100000x64xf32, #tpu.memory_space<hbm>> -> memref<1x64xf32, #tpu.memory_space<hbm>>
    %dma_start3A_343 = arith.constant 15 : i32
    %dma_start3A_344 = arith.constant 0 : i32
    %dma_start3A_345 = tpu.memref_slice %arg6[%dma_start3A_343, %dma_start3A_344] : memref<32x64xf32, #tpu.memory_space<vmem>> -> memref<1x64xf32, #tpu.memory_space<vmem>>
    %dma_start3A_346 = arith.constant 0 : i32
    %dma_start3A_347 = tpu.memref_slice %arg3[%reduce_sum3A_337, %dma_start3A_346] : memref<100000x64xf32, #tpu.memory_space<hbm>> -> memref<1x64xf32, #tpu.memory_space<hbm>>
    tpu.enqueue_dma source(%dma_start3A_347 : memref<1x64xf32, #tpu.memory_space<hbm>>) target(%dma_start3A_345 : memref<1x64xf32, #tpu.memory_space<vmem>>) target_semaphore(%arg7 : memref<!tpu.dma_semaphore, #tpu.memory_space<semaphore_mem>>)
    %get3A_348 = arith.constant 16 : index
    %get3A_349 = tpu.vector_load %arg5[%get3A_348] {strides = array<i32>} : memref<32xi32, #tpu.memory_space<vmem>>, vector<16xi32>,
    %eq3A_350 = arith.constant 0 : i32
    %eq3A_351 = vector.broadcast %eq3A_350 : i32 to vector<16xi32>
    %eq3A_352 = arith.cmpi eq, %iota3A, %eq3A_351 : vector<16xi32>
    %jit3A_353 = arith.constant 0 : i32
    %broadcast_in_dim3A_354 = vector.broadcast %jit3A_353 : i32 to vector<16xi32>
    %select_n3A_355 = arith.select %eq3A_352, %get3A_349, %broadcast_in_dim3A_354 : vector<16xi1>, vector<16xi32>
    %reduce_sum3A_356 = arith.constant true
    %reduce_sum3A_357 = vector.broadcast %reduce_sum3A_356 : i1 to vector<16xi1>
    %reduce_sum3A_358 = tpu.scan <sum>, %select_n3A_355 masked %reduce_sum3A_357 : vector<16xi32>, vector<16xi1> -> vector<16xi32>
    %reduce_sum3A_359 = vector.extract %reduce_sum3A_358[15] : i32 from vector<16xi32>
    %dma_start3A_360 = arith.constant 16 : i32
    %dma_start3A_361 = arith.constant 0 : i32
    %dma_start3A_362 = tpu.memref_slice %arg6[%dma_start3A_360, %dma_start3A_361] : memref<32x64xf32, #tpu.memory_space<vmem>> -> memref<1x64xf32, #tpu.memory_space<vmem>>
    %dma_start3A_363 = arith.constant 0 : i32
    %dma_start3A_364 = tpu.memref_slice %arg3[%reduce_sum3A_359, %dma_start3A_363] : memref<100000x64xf32, #tpu.memory_space<hbm>> -> memref<1x64xf32, #tpu.memory_space<hbm>>
    %dma_start3A_365 = arith.constant 16 : i32
    %dma_start3A_366 = arith.constant 0 : i32
    %dma_start3A_367 = tpu.memref_slice %arg6[%dma_start3A_365, %dma_start3A_366] : memref<32x64xf32, #tpu.memory_space<vmem>> -> memref<1x64xf32, #tpu.memory_space<vmem>>
    %dma_start3A_368 = arith.constant 0 : i32
    %dma_start3A_369 = tpu.memref_slice %arg3[%reduce_sum3A_359, %dma_start3A_368] : memref<100000x64xf32, #tpu.memory_space<hbm>> -> memref<1x64xf32, #tpu.memory_space<hbm>>
    tpu.enqueue_dma source(%dma_start3A_369 : memref<1x64xf32, #tpu.memory_space<hbm>>) target(%dma_start3A_367 : memref<1x64xf32, #tpu.memory_space<vmem>>) target_semaphore(%arg7 : memref<!tpu.dma_semaphore, #tpu.memory_space<semaphore_mem>>)
    %get3A_370 = arith.constant 16 : index
    %get3A_371 = tpu.vector_load %arg5[%get3A_370] {strides = array<i32>} : memref<32xi32, #tpu.memory_space<vmem>>, vector<16xi32>,
    %eq3A_372 = arith.constant 1 : i32
    %eq3A_373 = vector.broadcast %eq3A_372 : i32 to vector<16xi32>
    %eq3A_374 = arith.cmpi eq, %iota3A, %eq3A_373 : vector<16xi32>
    %jit3A_375 = arith.constant 0 : i32
    %broadcast_in_dim3A_376 = vector.broadcast %jit3A_375 : i32 to vector<16xi32>
    %select_n3A_377 = arith.select %eq3A_374, %get3A_371, %broadcast_in_dim3A_376 : vector<16xi1>, vector<16xi32>
    %reduce_sum3A_378 = arith.constant true
    %reduce_sum3A_379 = vector.broadcast %reduce_sum3A_378 : i1 to vector<16xi1>
    %reduce_sum3A_380 = tpu.scan <sum>, %select_n3A_377 masked %reduce_sum3A_379 : vector<16xi32>, vector<16xi1> -> vector<16xi32>
    %reduce_sum3A_381 = vector.extract %reduce_sum3A_380[15] : i32 from vector<16xi32>
    %dma_start3A_382 = arith.constant 17 : i32
    %dma_start3A_383 = arith.constant 0 : i32
    %dma_start3A_384 = tpu.memref_slice %arg6[%dma_start3A_382, %dma_start3A_383] : memref<32x64xf32, #tpu.memory_space<vmem>> -> memref<1x64xf32, #tpu.memory_space<vmem>>
    %dma_start3A_385 = arith.constant 0 : i32
    %dma_start3A_386 = tpu.memref_slice %arg3[%reduce_sum3A_381, %dma_start3A_385] : memref<100000x64xf32, #tpu.memory_space<hbm>> -> memref<1x64xf32, #tpu.memory_space<hbm>>
    %dma_start3A_387 = arith.constant 17 : i32
    %dma_start3A_388 = arith.constant 0 : i32
    %dma_start3A_389 = tpu.memref_slice %arg6[%dma_start3A_387, %dma_start3A_388] : memref<32x64xf32, #tpu.memory_space<vmem>> -> memref<1x64xf32, #tpu.memory_space<vmem>>
    %dma_start3A_390 = arith.constant 0 : i32
    %dma_start3A_391 = tpu.memref_slice %arg3[%reduce_sum3A_381, %dma_start3A_390] : memref<100000x64xf32, #tpu.memory_space<hbm>> -> memref<1x64xf32, #tpu.memory_space<hbm>>
    tpu.enqueue_dma source(%dma_start3A_391 : memref<1x64xf32, #tpu.memory_space<hbm>>) target(%dma_start3A_389 : memref<1x64xf32, #tpu.memory_space<vmem>>) target_semaphore(%arg7 : memref<!tpu.dma_semaphore, #tpu.memory_space<semaphore_mem>>)
    %get3A_392 = arith.constant 16 : index
    %get3A_393 = tpu.vector_load %arg5[%get3A_392] {strides = array<i32>} : memref<32xi32, #tpu.memory_space<vmem>>, vector<16xi32>,
    %eq3A_394 = arith.constant 2 : i32
    %eq3A_395 = vector.broadcast %eq3A_394 : i32 to vector<16xi32>
    %eq3A_396 = arith.cmpi eq, %iota3A, %eq3A_395 : vector<16xi32>
    %jit3A_397 = arith.constant 0 : i32
    %broadcast_in_dim3A_398 = vector.broadcast %jit3A_397 : i32 to vector<16xi32>
    %select_n3A_399 = arith.select %eq3A_396, %get3A_393, %broadcast_in_dim3A_398 : vector<16xi1>, vector<16xi32>
    %reduce_sum3A_400 = arith.constant true
    %reduce_sum3A_401 = vector.broadcast %reduce_sum3A_400 : i1 to vector<16xi1>
    %reduce_sum3A_402 = tpu.scan <sum>, %select_n3A_399 masked %reduce_sum3A_401 : vector<16xi32>, vector<16xi1> -> vector<16xi32>
    %reduce_sum3A_403 = vector.extract %reduce_sum3A_402[15] : i32 from vector<16xi32>
    %dma_start3A_404 = arith.constant 18 : i32
    %dma_start3A_405 = arith.constant 0 : i32
    %dma_start3A_406 = tpu.memref_slice %arg6[%dma_start3A_404, %dma_start3A_405] : memref<32x64xf32, #tpu.memory_space<vmem>> -> memref<1x64xf32, #tpu.memory_space<vmem>>
    %dma_start3A_407 = arith.constant 0 : i32
    %dma_start3A_408 = tpu.memref_slice %arg3[%reduce_sum3A_403, %dma_start3A_407] : memref<100000x64xf32, #tpu.memory_space<hbm>> -> memref<1x64xf32, #tpu.memory_space<hbm>>
    %dma_start3A_409 = arith.constant 18 : i32
    %dma_start3A_410 = arith.constant 0 : i32
    %dma_start3A_411 = tpu.memref_slice %arg6[%dma_start3A_409, %dma_start3A_410] : memref<32x64xf32, #tpu.memory_space<vmem>> -> memref<1x64xf32, #tpu.memory_space<vmem>>
    %dma_start3A_412 = arith.constant 0 : i32
    %dma_start3A_413 = tpu.memref_slice %arg3[%reduce_sum3A_403, %dma_start3A_412] : memref<100000x64xf32, #tpu.memory_space<hbm>> -> memref<1x64xf32, #tpu.memory_space<hbm>>
    tpu.enqueue_dma source(%dma_start3A_413 : memref<1x64xf32, #tpu.memory_space<hbm>>) target(%dma_start3A_411 : memref<1x64xf32, #tpu.memory_space<vmem>>) target_semaphore(%arg7 : memref<!tpu.dma_semaphore, #tpu.memory_space<semaphore_mem>>)
    %get3A_414 = arith.constant 16 : index
    %get3A_415 = tpu.vector_load %arg5[%get3A_414] {strides = array<i32>} : memref<32xi32, #tpu.memory_space<vmem>>, vector<16xi32>,
    %eq3A_416 = arith.constant 3 : i32
    %eq3A_417 = vector.broadcast %eq3A_416 : i32 to vector<16xi32>
    %eq3A_418 = arith.cmpi eq, %iota3A, %eq3A_417 : vector<16xi32>
    %jit3A_419 = arith.constant 0 : i32
    %broadcast_in_dim3A_420 = vector.broadcast %jit3A_419 : i32 to vector<16xi32>
    %select_n3A_421 = arith.select %eq3A_418, %get3A_415, %broadcast_in_dim3A_420 : vector<16xi1>, vector<16xi32>
    %reduce_sum3A_422 = arith.constant true
    %reduce_sum3A_423 = vector.broadcast %reduce_sum3A_422 : i1 to vector<16xi1>
    %reduce_sum3A_424 = tpu.scan <sum>, %select_n3A_421 masked %reduce_sum3A_423 : vector<16xi32>, vector<16xi1> -> vector<16xi32>
    %reduce_sum3A_425 = vector.extract %reduce_sum3A_424[15] : i32 from vector<16xi32>
    %dma_start3A_426 = arith.constant 19 : i32
    %dma_start3A_427 = arith.constant 0 : i32
    %dma_start3A_428 = tpu.memref_slice %arg6[%dma_start3A_426, %dma_start3A_427] : memref<32x64xf32, #tpu.memory_space<vmem>> -> memref<1x64xf32, #tpu.memory_space<vmem>>
    %dma_start3A_429 = arith.constant 0 : i32
    %dma_start3A_430 = tpu.memref_slice %arg3[%reduce_sum3A_425, %dma_start3A_429] : memref<100000x64xf32, #tpu.memory_space<hbm>> -> memref<1x64xf32, #tpu.memory_space<hbm>>
    %dma_start3A_431 = arith.constant 19 : i32
    %dma_start3A_432 = arith.constant 0 : i32
    %dma_start3A_433 = tpu.memref_slice %arg6[%dma_start3A_431, %dma_start3A_432] : memref<32x64xf32, #tpu.memory_space<vmem>> -> memref<1x64xf32, #tpu.memory_space<vmem>>
    %dma_start3A_434 = arith.constant 0 : i32
    %dma_start3A_435 = tpu.memref_slice %arg3[%reduce_sum3A_425, %dma_start3A_434] : memref<100000x64xf32, #tpu.memory_space<hbm>> -> memref<1x64xf32, #tpu.memory_space<hbm>>
    tpu.enqueue_dma source(%dma_start3A_435 : memref<1x64xf32, #tpu.memory_space<hbm>>) target(%dma_start3A_433 : memref<1x64xf32, #tpu.memory_space<vmem>>) target_semaphore(%arg7 : memref<!tpu.dma_semaphore, #tpu.memory_space<semaphore_mem>>)
    %get3A_436 = arith.constant 16 : index
    %get3A_437 = tpu.vector_load %arg5[%get3A_436] {strides = array<i32>} : memref<32xi32, #tpu.memory_space<vmem>>, vector<16xi32>,
    %eq3A_438 = arith.constant 4 : i32
    %eq3A_439 = vector.broadcast %eq3A_438 : i32 to vector<16xi32>
    %eq3A_440 = arith.cmpi eq, %iota3A, %eq3A_439 : vector<16xi32>
    %jit3A_441 = arith.constant 0 : i32
    %broadcast_in_dim3A_442 = vector.broadcast %jit3A_441 : i32 to vector<16xi32>
    %select_n3A_443 = arith.select %eq3A_440, %get3A_437, %broadcast_in_dim3A_442 : vector<16xi1>, vector<16xi32>
    %reduce_sum3A_444 = arith.constant true
    %reduce_sum3A_445 = vector.broadcast %reduce_sum3A_444 : i1 to vector<16xi1>
    %reduce_sum3A_446 = tpu.scan <sum>, %select_n3A_443 masked %reduce_sum3A_445 : vector<16xi32>, vector<16xi1> -> vector<16xi32>
    %reduce_sum3A_447 = vector.extract %reduce_sum3A_446[15] : i32 from vector<16xi32>
    %dma_start3A_448 = arith.constant 20 : i32
    %dma_start3A_449 = arith.constant 0 : i32
    %dma_start3A_450 = tpu.memref_slice %arg6[%dma_start3A_448, %dma_start3A_449] : memref<32x64xf32, #tpu.memory_space<vmem>> -> memref<1x64xf32, #tpu.memory_space<vmem>>
    %dma_start3A_451 = arith.constant 0 : i32
    %dma_start3A_452 = tpu.memref_slice %arg3[%reduce_sum3A_447, %dma_start3A_451] : memref<100000x64xf32, #tpu.memory_space<hbm>> -> memref<1x64xf32, #tpu.memory_space<hbm>>
    %dma_start3A_453 = arith.constant 20 : i32
    %dma_start3A_454 = arith.constant 0 : i32
    %dma_start3A_455 = tpu.memref_slice %arg6[%dma_start3A_453, %dma_start3A_454] : memref<32x64xf32, #tpu.memory_space<vmem>> -> memref<1x64xf32, #tpu.memory_space<vmem>>
    %dma_start3A_456 = arith.constant 0 : i32
    %dma_start3A_457 = tpu.memref_slice %arg3[%reduce_sum3A_447, %dma_start3A_456] : memref<100000x64xf32, #tpu.memory_space<hbm>> -> memref<1x64xf32, #tpu.memory_space<hbm>>
    tpu.enqueue_dma source(%dma_start3A_457 : memref<1x64xf32, #tpu.memory_space<hbm>>) target(%dma_start3A_455 : memref<1x64xf32, #tpu.memory_space<vmem>>) target_semaphore(%arg7 : memref<!tpu.dma_semaphore, #tpu.memory_space<semaphore_mem>>)
    %get3A_458 = arith.constant 16 : index
    %get3A_459 = tpu.vector_load %arg5[%get3A_458] {strides = array<i32>} : memref<32xi32, #tpu.memory_space<vmem>>, vector<16xi32>,
    %eq3A_460 = arith.constant 5 : i32
    %eq3A_461 = vector.broadcast %eq3A_460 : i32 to vector<16xi32>
    %eq3A_462 = arith.cmpi eq, %iota3A, %eq3A_461 : vector<16xi32>
    %jit3A_463 = arith.constant 0 : i32
    %broadcast_in_dim3A_464 = vector.broadcast %jit3A_463 : i32 to vector<16xi32>
    %select_n3A_465 = arith.select %eq3A_462, %get3A_459, %broadcast_in_dim3A_464 : vector<16xi1>, vector<16xi32>
    %reduce_sum3A_466 = arith.constant true
    %reduce_sum3A_467 = vector.broadcast %reduce_sum3A_466 : i1 to vector<16xi1>
    %reduce_sum3A_468 = tpu.scan <sum>, %select_n3A_465 masked %reduce_sum3A_467 : vector<16xi32>, vector<16xi1> -> vector<16xi32>
    %reduce_sum3A_469 = vector.extract %reduce_sum3A_468[15] : i32 from vector<16xi32>
    %dma_start3A_470 = arith.constant 21 : i32
    %dma_start3A_471 = arith.constant 0 : i32
    %dma_start3A_472 = tpu.memref_slice %arg6[%dma_start3A_470, %dma_start3A_471] : memref<32x64xf32, #tpu.memory_space<vmem>> -> memref<1x64xf32, #tpu.memory_space<vmem>>
    %dma_start3A_473 = arith.constant 0 : i32
    %dma_start3A_474 = tpu.memref_slice %arg3[%reduce_sum3A_469, %dma_start3A_473] : memref<100000x64xf32, #tpu.memory_space<hbm>> -> memref<1x64xf32, #tpu.memory_space<hbm>>
    %dma_start3A_475 = arith.constant 21 : i32
    %dma_start3A_476 = arith.constant 0 : i32
    %dma_start3A_477 = tpu.memref_slice %arg6[%dma_start3A_475, %dma_start3A_476] : memref<32x64xf32, #tpu.memory_space<vmem>> -> memref<1x64xf32, #tpu.memory_space<vmem>>
    %dma_start3A_478 = arith.constant 0 : i32
    %dma_start3A_479 = tpu.memref_slice %arg3[%reduce_sum3A_469, %dma_start3A_478] : memref<100000x64xf32, #tpu.memory_space<hbm>> -> memref<1x64xf32, #tpu.memory_space<hbm>>
    tpu.enqueue_dma source(%dma_start3A_479 : memref<1x64xf32, #tpu.memory_space<hbm>>) target(%dma_start3A_477 : memref<1x64xf32, #tpu.memory_space<vmem>>) target_semaphore(%arg7 : memref<!tpu.dma_semaphore, #tpu.memory_space<semaphore_mem>>)
    %get3A_480 = arith.constant 16 : index
    %get3A_481 = tpu.vector_load %arg5[%get3A_480] {strides = array<i32>} : memref<32xi32, #tpu.memory_space<vmem>>, vector<16xi32>,
    %eq3A_482 = arith.constant 6 : i32
    %eq3A_483 = vector.broadcast %eq3A_482 : i32 to vector<16xi32>
    %eq3A_484 = arith.cmpi eq, %iota3A, %eq3A_483 : vector<16xi32>
    %jit3A_485 = arith.constant 0 : i32
    %broadcast_in_dim3A_486 = vector.broadcast %jit3A_485 : i32 to vector<16xi32>
    %select_n3A_487 = arith.select %eq3A_484, %get3A_481, %broadcast_in_dim3A_486 : vector<16xi1>, vector<16xi32>
    %reduce_sum3A_488 = arith.constant true
    %reduce_sum3A_489 = vector.broadcast %reduce_sum3A_488 : i1 to vector<16xi1>
    %reduce_sum3A_490 = tpu.scan <sum>, %select_n3A_487 masked %reduce_sum3A_489 : vector<16xi32>, vector<16xi1> -> vector<16xi32>
    %reduce_sum3A_491 = vector.extract %reduce_sum3A_490[15] : i32 from vector<16xi32>
    %dma_start3A_492 = arith.constant 22 : i32
    %dma_start3A_493 = arith.constant 0 : i32
    %dma_start3A_494 = tpu.memref_slice %arg6[%dma_start3A_492, %dma_start3A_493] : memref<32x64xf32, #tpu.memory_space<vmem>> -> memref<1x64xf32, #tpu.memory_space<vmem>>
    %dma_start3A_495 = arith.constant 0 : i32
    %dma_start3A_496 = tpu.memref_slice %arg3[%reduce_sum3A_491, %dma_start3A_495] : memref<100000x64xf32, #tpu.memory_space<hbm>> -> memref<1x64xf32, #tpu.memory_space<hbm>>
    %dma_start3A_497 = arith.constant 22 : i32
    %dma_start3A_498 = arith.constant 0 : i32
    %dma_start3A_499 = tpu.memref_slice %arg6[%dma_start3A_497, %dma_start3A_498] : memref<32x64xf32, #tpu.memory_space<vmem>> -> memref<1x64xf32, #tpu.memory_space<vmem>>
    %dma_start3A_500 = arith.constant 0 : i32
    %dma_start3A_501 = tpu.memref_slice %arg3[%reduce_sum3A_491, %dma_start3A_500] : memref<100000x64xf32, #tpu.memory_space<hbm>> -> memref<1x64xf32, #tpu.memory_space<hbm>>
    tpu.enqueue_dma source(%dma_start3A_501 : memref<1x64xf32, #tpu.memory_space<hbm>>) target(%dma_start3A_499 : memref<1x64xf32, #tpu.memory_space<vmem>>) target_semaphore(%arg7 : memref<!tpu.dma_semaphore, #tpu.memory_space<semaphore_mem>>)
    %get3A_502 = arith.constant 16 : index
    %get3A_503 = tpu.vector_load %arg5[%get3A_502] {strides = array<i32>} : memref<32xi32, #tpu.memory_space<vmem>>, vector<16xi32>,
    %eq3A_504 = arith.constant 7 : i32
    %eq3A_505 = vector.broadcast %eq3A_504 : i32 to vector<16xi32>
    %eq3A_506 = arith.cmpi eq, %iota3A, %eq3A_505 : vector<16xi32>
    %jit3A_507 = arith.constant 0 : i32
    %broadcast_in_dim3A_508 = vector.broadcast %jit3A_507 : i32 to vector<16xi32>
    %select_n3A_509 = arith.select %eq3A_506, %get3A_503, %broadcast_in_dim3A_508 : vector<16xi1>, vector<16xi32>
    %reduce_sum3A_510 = arith.constant true
    %reduce_sum3A_511 = vector.broadcast %reduce_sum3A_510 : i1 to vector<16xi1>
    %reduce_sum3A_512 = tpu.scan <sum>, %select_n3A_509 masked %reduce_sum3A_511 : vector<16xi32>, vector<16xi1> -> vector<16xi32>
    %reduce_sum3A_513 = vector.extract %reduce_sum3A_512[15] : i32 from vector<16xi32>
    %dma_start3A_514 = arith.constant 23 : i32
    %dma_start3A_515 = arith.constant 0 : i32
    %dma_start3A_516 = tpu.memref_slice %arg6[%dma_start3A_514, %dma_start3A_515] : memref<32x64xf32, #tpu.memory_space<vmem>> -> memref<1x64xf32, #tpu.memory_space<vmem>>
    %dma_start3A_517 = arith.constant 0 : i32
    %dma_start3A_518 = tpu.memref_slice %arg3[%reduce_sum3A_513, %dma_start3A_517] : memref<100000x64xf32, #tpu.memory_space<hbm>> -> memref<1x64xf32, #tpu.memory_space<hbm>>
    %dma_start3A_519 = arith.constant 23 : i32
    %dma_start3A_520 = arith.constant 0 : i32
    %dma_start3A_521 = tpu.memref_slice %arg6[%dma_start3A_519, %dma_start3A_520] : memref<32x64xf32, #tpu.memory_space<vmem>> -> memref<1x64xf32, #tpu.memory_space<vmem>>
    %dma_start3A_522 = arith.constant 0 : i32
    %dma_start3A_523 = tpu.memref_slice %arg3[%reduce_sum3A_513, %dma_start3A_522] : memref<100000x64xf32, #tpu.memory_space<hbm>> -> memref<1x64xf32, #tpu.memory_space<hbm>>
    tpu.enqueue_dma source(%dma_start3A_523 : memref<1x64xf32, #tpu.memory_space<hbm>>) target(%dma_start3A_521 : memref<1x64xf32, #tpu.memory_space<vmem>>) target_semaphore(%arg7 : memref<!tpu.dma_semaphore, #tpu.memory_space<semaphore_mem>>)
    %get3A_524 = arith.constant 16 : index
    %get3A_525 = tpu.vector_load %arg5[%get3A_524] {strides = array<i32>} : memref<32xi32, #tpu.memory_space<vmem>>, vector<16xi32>,
    %eq3A_526 = arith.constant 8 : i32
    %eq3A_527 = vector.broadcast %eq3A_526 : i32 to vector<16xi32>
    %eq3A_528 = arith.cmpi eq, %iota3A, %eq3A_527 : vector<16xi32>
    %jit3A_529 = arith.constant 0 : i32
    %broadcast_in_dim3A_530 = vector.broadcast %jit3A_529 : i32 to vector<16xi32>
    %select_n3A_531 = arith.select %eq3A_528, %get3A_525, %broadcast_in_dim3A_530 : vector<16xi1>, vector<16xi32>
    %reduce_sum3A_532 = arith.constant true
    %reduce_sum3A_533 = vector.broadcast %reduce_sum3A_532 : i1 to vector<16xi1>
    %reduce_sum3A_534 = tpu.scan <sum>, %select_n3A_531 masked %reduce_sum3A_533 : vector<16xi32>, vector<16xi1> -> vector<16xi32>
    %reduce_sum3A_535 = vector.extract %reduce_sum3A_534[15] : i32 from vector<16xi32>
    %dma_start3A_536 = arith.constant 24 : i32
    %dma_start3A_537 = arith.constant 0 : i32
    %dma_start3A_538 = tpu.memref_slice %arg6[%dma_start3A_536, %dma_start3A_537] : memref<32x64xf32, #tpu.memory_space<vmem>> -> memref<1x64xf32, #tpu.memory_space<vmem>>
    %dma_start3A_539 = arith.constant 0 : i32
    %dma_start3A_540 = tpu.memref_slice %arg3[%reduce_sum3A_535, %dma_start3A_539] : memref<100000x64xf32, #tpu.memory_space<hbm>> -> memref<1x64xf32, #tpu.memory_space<hbm>>
    %dma_start3A_541 = arith.constant 24 : i32
    %dma_start3A_542 = arith.constant 0 : i32
    %dma_start3A_543 = tpu.memref_slice %arg6[%dma_start3A_541, %dma_start3A_542] : memref<32x64xf32, #tpu.memory_space<vmem>> -> memref<1x64xf32, #tpu.memory_space<vmem>>
    %dma_start3A_544 = arith.constant 0 : i32
    %dma_start3A_545 = tpu.memref_slice %arg3[%reduce_sum3A_535, %dma_start3A_544] : memref<100000x64xf32, #tpu.memory_space<hbm>> -> memref<1x64xf32, #tpu.memory_space<hbm>>
    tpu.enqueue_dma source(%dma_start3A_545 : memref<1x64xf32, #tpu.memory_space<hbm>>) target(%dma_start3A_543 : memref<1x64xf32, #tpu.memory_space<vmem>>) target_semaphore(%arg7 : memref<!tpu.dma_semaphore, #tpu.memory_space<semaphore_mem>>)
    %get3A_546 = arith.constant 16 : index
    %get3A_547 = tpu.vector_load %arg5[%get3A_546] {strides = array<i32>} : memref<32xi32, #tpu.memory_space<vmem>>, vector<16xi32>,
    %eq3A_548 = arith.constant 9 : i32
    %eq3A_549 = vector.broadcast %eq3A_548 : i32 to vector<16xi32>
    %eq3A_550 = arith.cmpi eq, %iota3A, %eq3A_549 : vector<16xi32>
    %jit3A_551 = arith.constant 0 : i32
    %broadcast_in_dim3A_552 = vector.broadcast %jit3A_551 : i32 to vector<16xi32>
    %select_n3A_553 = arith.select %eq3A_550, %get3A_547, %broadcast_in_dim3A_552 : vector<16xi1>, vector<16xi32>
    %reduce_sum3A_554 = arith.constant true
    %reduce_sum3A_555 = vector.broadcast %reduce_sum3A_554 : i1 to vector<16xi1>
    %reduce_sum3A_556 = tpu.scan <sum>, %select_n3A_553 masked %reduce_sum3A_555 : vector<16xi32>, vector<16xi1> -> vector<16xi32>
    %reduce_sum3A_557 = vector.extract %reduce_sum3A_556[15] : i32 from vector<16xi32>
    %dma_start3A_558 = arith.constant 25 : i32
    %dma_start3A_559 = arith.constant 0 : i32
    %dma_start3A_560 = tpu.memref_slice %arg6[%dma_start3A_558, %dma_start3A_559] : memref<32x64xf32, #tpu.memory_space<vmem>> -> memref<1x64xf32, #tpu.memory_space<vmem>>
    %dma_start3A_561 = arith.constant 0 : i32
    %dma_start3A_562 = tpu.memref_slice %arg3[%reduce_sum3A_557, %dma_start3A_561] : memref<100000x64xf32, #tpu.memory_space<hbm>> -> memref<1x64xf32, #tpu.memory_space<hbm>>
    %dma_start3A_563 = arith.constant 25 : i32
    %dma_start3A_564 = arith.constant 0 : i32
    %dma_start3A_565 = tpu.memref_slice %arg6[%dma_start3A_563, %dma_start3A_564] : memref<32x64xf32, #tpu.memory_space<vmem>> -> memref<1x64xf32, #tpu.memory_space<vmem>>
    %dma_start3A_566 = arith.constant 0 : i32
    %dma_start3A_567 = tpu.memref_slice %arg3[%reduce_sum3A_557, %dma_start3A_566] : memref<100000x64xf32, #tpu.memory_space<hbm>> -> memref<1x64xf32, #tpu.memory_space<hbm>>
    tpu.enqueue_dma source(%dma_start3A_567 : memref<1x64xf32, #tpu.memory_space<hbm>>) target(%dma_start3A_565 : memref<1x64xf32, #tpu.memory_space<vmem>>) target_semaphore(%arg7 : memref<!tpu.dma_semaphore, #tpu.memory_space<semaphore_mem>>)
    %get3A_568 = arith.constant 16 : index
    %get3A_569 = tpu.vector_load %arg5[%get3A_568] {strides = array<i32>} : memref<32xi32, #tpu.memory_space<vmem>>, vector<16xi32>,
    %eq3A_570 = arith.constant 10 : i32
    %eq3A_571 = vector.broadcast %eq3A_570 : i32 to vector<16xi32>
    %eq3A_572 = arith.cmpi eq, %iota3A, %eq3A_571 : vector<16xi32>
    %jit3A_573 = arith.constant 0 : i32
    %broadcast_in_dim3A_574 = vector.broadcast %jit3A_573 : i32 to vector<16xi32>
    %select_n3A_575 = arith.select %eq3A_572, %get3A_569, %broadcast_in_dim3A_574 : vector<16xi1>, vector<16xi32>
    %reduce_sum3A_576 = arith.constant true
    %reduce_sum3A_577 = vector.broadcast %reduce_sum3A_576 : i1 to vector<16xi1>
    %reduce_sum3A_578 = tpu.scan <sum>, %select_n3A_575 masked %reduce_sum3A_577 : vector<16xi32>, vector<16xi1> -> vector<16xi32>
    %reduce_sum3A_579 = vector.extract %reduce_sum3A_578[15] : i32 from vector<16xi32>
    %dma_start3A_580 = arith.constant 26 : i32
    %dma_start3A_581 = arith.constant 0 : i32
    %dma_start3A_582 = tpu.memref_slice %arg6[%dma_start3A_580, %dma_start3A_581] : memref<32x64xf32, #tpu.memory_space<vmem>> -> memref<1x64xf32, #tpu.memory_space<vmem>>
    %dma_start3A_583 = arith.constant 0 : i32
    %dma_start3A_584 = tpu.memref_slice %arg3[%reduce_sum3A_579, %dma_start3A_583] : memref<100000x64xf32, #tpu.memory_space<hbm>> -> memref<1x64xf32, #tpu.memory_space<hbm>>
    %dma_start3A_585 = arith.constant 26 : i32
    %dma_start3A_586 = arith.constant 0 : i32
    %dma_start3A_587 = tpu.memref_slice %arg6[%dma_start3A_585, %dma_start3A_586] : memref<32x64xf32, #tpu.memory_space<vmem>> -> memref<1x64xf32, #tpu.memory_space<vmem>>
    %dma_start3A_588 = arith.constant 0 : i32
    %dma_start3A_589 = tpu.memref_slice %arg3[%reduce_sum3A_579, %dma_start3A_588] : memref<100000x64xf32, #tpu.memory_space<hbm>> -> memref<1x64xf32, #tpu.memory_space<hbm>>
    tpu.enqueue_dma source(%dma_start3A_589 : memref<1x64xf32, #tpu.memory_space<hbm>>) target(%dma_start3A_587 : memref<1x64xf32, #tpu.memory_space<vmem>>) target_semaphore(%arg7 : memref<!tpu.dma_semaphore, #tpu.memory_space<semaphore_mem>>)
    %get3A_590 = arith.constant 16 : index
    %get3A_591 = tpu.vector_load %arg5[%get3A_590] {strides = array<i32>} : memref<32xi32, #tpu.memory_space<vmem>>, vector<16xi32>,
    %eq3A_592 = arith.constant 11 : i32
    %eq3A_593 = vector.broadcast %eq3A_592 : i32 to vector<16xi32>
    %eq3A_594 = arith.cmpi eq, %iota3A, %eq3A_593 : vector<16xi32>
    %jit3A_595 = arith.constant 0 : i32
    %broadcast_in_dim3A_596 = vector.broadcast %jit3A_595 : i32 to vector<16xi32>
    %select_n3A_597 = arith.select %eq3A_594, %get3A_591, %broadcast_in_dim3A_596 : vector<16xi1>, vector<16xi32>
    %reduce_sum3A_598 = arith.constant true
    %reduce_sum3A_599 = vector.broadcast %reduce_sum3A_598 : i1 to vector<16xi1>
    %reduce_sum3A_600 = tpu.scan <sum>, %select_n3A_597 masked %reduce_sum3A_599 : vector<16xi32>, vector<16xi1> -> vector<16xi32>
    %reduce_sum3A_601 = vector.extract %reduce_sum3A_600[15] : i32 from vector<16xi32>
    %dma_start3A_602 = arith.constant 27 : i32
    %dma_start3A_603 = arith.constant 0 : i32
    %dma_start3A_604 = tpu.memref_slice %arg6[%dma_start3A_602, %dma_start3A_603] : memref<32x64xf32, #tpu.memory_space<vmem>> -> memref<1x64xf32, #tpu.memory_space<vmem>>
    %dma_start3A_605 = arith.constant 0 : i32
    %dma_start3A_606 = tpu.memref_slice %arg3[%reduce_sum3A_601, %dma_start3A_605] : memref<100000x64xf32, #tpu.memory_space<hbm>> -> memref<1x64xf32, #tpu.memory_space<hbm>>
    %dma_start3A_607 = arith.constant 27 : i32
    %dma_start3A_608 = arith.constant 0 : i32
    %dma_start3A_609 = tpu.memref_slice %arg6[%dma_start3A_607, %dma_start3A_608] : memref<32x64xf32, #tpu.memory_space<vmem>> -> memref<1x64xf32, #tpu.memory_space<vmem>>
    %dma_start3A_610 = arith.constant 0 : i32
    %dma_start3A_611 = tpu.memref_slice %arg3[%reduce_sum3A_601, %dma_start3A_610] : memref<100000x64xf32, #tpu.memory_space<hbm>> -> memref<1x64xf32, #tpu.memory_space<hbm>>
    tpu.enqueue_dma source(%dma_start3A_611 : memref<1x64xf32, #tpu.memory_space<hbm>>) target(%dma_start3A_609 : memref<1x64xf32, #tpu.memory_space<vmem>>) target_semaphore(%arg7 : memref<!tpu.dma_semaphore, #tpu.memory_space<semaphore_mem>>)
    %get3A_612 = arith.constant 16 : index
    %get3A_613 = tpu.vector_load %arg5[%get3A_612] {strides = array<i32>} : memref<32xi32, #tpu.memory_space<vmem>>, vector<16xi32>,
    %eq3A_614 = arith.constant 12 : i32
    %eq3A_615 = vector.broadcast %eq3A_614 : i32 to vector<16xi32>
    %eq3A_616 = arith.cmpi eq, %iota3A, %eq3A_615 : vector<16xi32>
    %jit3A_617 = arith.constant 0 : i32
    %broadcast_in_dim3A_618 = vector.broadcast %jit3A_617 : i32 to vector<16xi32>
    %select_n3A_619 = arith.select %eq3A_616, %get3A_613, %broadcast_in_dim3A_618 : vector<16xi1>, vector<16xi32>
    %reduce_sum3A_620 = arith.constant true
    %reduce_sum3A_621 = vector.broadcast %reduce_sum3A_620 : i1 to vector<16xi1>
    %reduce_sum3A_622 = tpu.scan <sum>, %select_n3A_619 masked %reduce_sum3A_621 : vector<16xi32>, vector<16xi1> -> vector<16xi32>
    %reduce_sum3A_623 = vector.extract %reduce_sum3A_622[15] : i32 from vector<16xi32>
    %dma_start3A_624 = arith.constant 28 : i32
    %dma_start3A_625 = arith.constant 0 : i32
    %dma_start3A_626 = tpu.memref_slice %arg6[%dma_start3A_624, %dma_start3A_625] : memref<32x64xf32, #tpu.memory_space<vmem>> -> memref<1x64xf32, #tpu.memory_space<vmem>>
    %dma_start3A_627 = arith.constant 0 : i32
    %dma_start3A_628 = tpu.memref_slice %arg3[%reduce_sum3A_623, %dma_start3A_627] : memref<100000x64xf32, #tpu.memory_space<hbm>> -> memref<1x64xf32, #tpu.memory_space<hbm>>
    %dma_start3A_629 = arith.constant 28 : i32
    %dma_start3A_630 = arith.constant 0 : i32
    %dma_start3A_631 = tpu.memref_slice %arg6[%dma_start3A_629, %dma_start3A_630] : memref<32x64xf32, #tpu.memory_space<vmem>> -> memref<1x64xf32, #tpu.memory_space<vmem>>
    %dma_start3A_632 = arith.constant 0 : i32
    %dma_start3A_633 = tpu.memref_slice %arg3[%reduce_sum3A_623, %dma_start3A_632] : memref<100000x64xf32, #tpu.memory_space<hbm>> -> memref<1x64xf32, #tpu.memory_space<hbm>>
    tpu.enqueue_dma source(%dma_start3A_633 : memref<1x64xf32, #tpu.memory_space<hbm>>) target(%dma_start3A_631 : memref<1x64xf32, #tpu.memory_space<vmem>>) target_semaphore(%arg7 : memref<!tpu.dma_semaphore, #tpu.memory_space<semaphore_mem>>)
    %get3A_634 = arith.constant 16 : index
    %get3A_635 = tpu.vector_load %arg5[%get3A_634] {strides = array<i32>} : memref<32xi32, #tpu.memory_space<vmem>>, vector<16xi32>,
    %eq3A_636 = arith.constant 13 : i32
    %eq3A_637 = vector.broadcast %eq3A_636 : i32 to vector<16xi32>
    %eq3A_638 = arith.cmpi eq, %iota3A, %eq3A_637 : vector<16xi32>
    %jit3A_639 = arith.constant 0 : i32
    %broadcast_in_dim3A_640 = vector.broadcast %jit3A_639 : i32 to vector<16xi32>
    %select_n3A_641 = arith.select %eq3A_638, %get3A_635, %broadcast_in_dim3A_640 : vector<16xi1>, vector<16xi32>
    %reduce_sum3A_642 = arith.constant true
    %reduce_sum3A_643 = vector.broadcast %reduce_sum3A_642 : i1 to vector<16xi1>
    %reduce_sum3A_644 = tpu.scan <sum>, %select_n3A_641 masked %reduce_sum3A_643 : vector<16xi32>, vector<16xi1> -> vector<16xi32>
    %reduce_sum3A_645 = vector.extract %reduce_sum3A_644[15] : i32 from vector<16xi32>
    %dma_start3A_646 = arith.constant 29 : i32
    %dma_start3A_647 = arith.constant 0 : i32
    %dma_start3A_648 = tpu.memref_slice %arg6[%dma_start3A_646, %dma_start3A_647] : memref<32x64xf32, #tpu.memory_space<vmem>> -> memref<1x64xf32, #tpu.memory_space<vmem>>
    %dma_start3A_649 = arith.constant 0 : i32
    %dma_start3A_650 = tpu.memref_slice %arg3[%reduce_sum3A_645, %dma_start3A_649] : memref<100000x64xf32, #tpu.memory_space<hbm>> -> memref<1x64xf32, #tpu.memory_space<hbm>>
    %dma_start3A_651 = arith.constant 29 : i32
    %dma_start3A_652 = arith.constant 0 : i32
    %dma_start3A_653 = tpu.memref_slice %arg6[%dma_start3A_651, %dma_start3A_652] : memref<32x64xf32, #tpu.memory_space<vmem>> -> memref<1x64xf32, #tpu.memory_space<vmem>>
    %dma_start3A_654 = arith.constant 0 : i32
    %dma_start3A_655 = tpu.memref_slice %arg3[%reduce_sum3A_645, %dma_start3A_654] : memref<100000x64xf32, #tpu.memory_space<hbm>> -> memref<1x64xf32, #tpu.memory_space<hbm>>
    tpu.enqueue_dma source(%dma_start3A_655 : memref<1x64xf32, #tpu.memory_space<hbm>>) target(%dma_start3A_653 : memref<1x64xf32, #tpu.memory_space<vmem>>) target_semaphore(%arg7 : memref<!tpu.dma_semaphore, #tpu.memory_space<semaphore_mem>>)
    %get3A_656 = arith.constant 16 : index
    %get3A_657 = tpu.vector_load %arg5[%get3A_656] {strides = array<i32>} : memref<32xi32, #tpu.memory_space<vmem>>, vector<16xi32>,
    %eq3A_658 = arith.constant 14 : i32
    %eq3A_659 = vector.broadcast %eq3A_658 : i32 to vector<16xi32>
    %eq3A_660 = arith.cmpi eq, %iota3A, %eq3A_659 : vector<16xi32>
    %jit3A_661 = arith.constant 0 : i32
    %broadcast_in_dim3A_662 = vector.broadcast %jit3A_661 : i32 to vector<16xi32>
    %select_n3A_663 = arith.select %eq3A_660, %get3A_657, %broadcast_in_dim3A_662 : vector<16xi1>, vector<16xi32>
    %reduce_sum3A_664 = arith.constant true
    %reduce_sum3A_665 = vector.broadcast %reduce_sum3A_664 : i1 to vector<16xi1>
    %reduce_sum3A_666 = tpu.scan <sum>, %select_n3A_663 masked %reduce_sum3A_665 : vector<16xi32>, vector<16xi1> -> vector<16xi32>
    %reduce_sum3A_667 = vector.extract %reduce_sum3A_666[15] : i32 from vector<16xi32>
    %dma_start3A_668 = arith.constant 30 : i32
    %dma_start3A_669 = arith.constant 0 : i32
    %dma_start3A_670 = tpu.memref_slice %arg6[%dma_start3A_668, %dma_start3A_669] : memref<32x64xf32, #tpu.memory_space<vmem>> -> memref<1x64xf32, #tpu.memory_space<vmem>>
    %dma_start3A_671 = arith.constant 0 : i32
    %dma_start3A_672 = tpu.memref_slice %arg3[%reduce_sum3A_667, %dma_start3A_671] : memref<100000x64xf32, #tpu.memory_space<hbm>> -> memref<1x64xf32, #tpu.memory_space<hbm>>
    %dma_start3A_673 = arith.constant 30 : i32
    %dma_start3A_674 = arith.constant 0 : i32
    %dma_start3A_675 = tpu.memref_slice %arg6[%dma_start3A_673, %dma_start3A_674] : memref<32x64xf32, #tpu.memory_space<vmem>> -> memref<1x64xf32, #tpu.memory_space<vmem>>
    %dma_start3A_676 = arith.constant 0 : i32
    %dma_start3A_677 = tpu.memref_slice %arg3[%reduce_sum3A_667, %dma_start3A_676] : memref<100000x64xf32, #tpu.memory_space<hbm>> -> memref<1x64xf32, #tpu.memory_space<hbm>>
    tpu.enqueue_dma source(%dma_start3A_677 : memref<1x64xf32, #tpu.memory_space<hbm>>) target(%dma_start3A_675 : memref<1x64xf32, #tpu.memory_space<vmem>>) target_semaphore(%arg7 : memref<!tpu.dma_semaphore, #tpu.memory_space<semaphore_mem>>)
    %get3A_678 = arith.constant 16 : index
    %get3A_679 = tpu.vector_load %arg5[%get3A_678] {strides = array<i32>} : memref<32xi32, #tpu.memory_space<vmem>>, vector<16xi32>,
    %eq3A_680 = arith.constant 15 : i32
    %eq3A_681 = vector.broadcast %eq3A_680 : i32 to vector<16xi32>
    %eq3A_682 = arith.cmpi eq, %iota3A, %eq3A_681 : vector<16xi32>
    %jit3A_683 = arith.constant 0 : i32
    %broadcast_in_dim3A_684 = vector.broadcast %jit3A_683 : i32 to vector<16xi32>
    %select_n3A_685 = arith.select %eq3A_682, %get3A_679, %broadcast_in_dim3A_684 : vector<16xi1>, vector<16xi32>
    %reduce_sum3A_686 = arith.constant true
    %reduce_sum3A_687 = vector.broadcast %reduce_sum3A_686 : i1 to vector<16xi1>
    %reduce_sum3A_688 = tpu.scan <sum>, %select_n3A_685 masked %reduce_sum3A_687 : vector<16xi32>, vector<16xi1> -> vector<16xi32>
    %reduce_sum3A_689 = vector.extract %reduce_sum3A_688[15] : i32 from vector<16xi32>
    %dma_start3A_690 = arith.constant 31 : i32
    %dma_start3A_691 = arith.constant 0 : i32
    %dma_start3A_692 = tpu.memref_slice %arg6[%dma_start3A_690, %dma_start3A_691] : memref<32x64xf32, #tpu.memory_space<vmem>> -> memref<1x64xf32, #tpu.memory_space<vmem>>
    %dma_start3A_693 = arith.constant 0 : i32
    %dma_start3A_694 = tpu.memref_slice %arg3[%reduce_sum3A_689, %dma_start3A_693] : memref<100000x64xf32, #tpu.memory_space<hbm>> -> memref<1x64xf32, #tpu.memory_space<hbm>>
    %dma_start3A_695 = arith.constant 31 : i32
    %dma_start3A_696 = arith.constant 0 : i32
    %dma_start3A_697 = tpu.memref_slice %arg6[%dma_start3A_695, %dma_start3A_696] : memref<32x64xf32, #tpu.memory_space<vmem>> -> memref<1x64xf32, #tpu.memory_space<vmem>>
    %dma_start3A_698 = arith.constant 0 : i32
    %dma_start3A_699 = tpu.memref_slice %arg3[%reduce_sum3A_689, %dma_start3A_698] : memref<100000x64xf32, #tpu.memory_space<hbm>> -> memref<1x64xf32, #tpu.memory_space<hbm>>
    tpu.enqueue_dma source(%dma_start3A_699 : memref<1x64xf32, #tpu.memory_space<hbm>>) target(%dma_start3A_697 : memref<1x64xf32, #tpu.memory_space<vmem>>) target_semaphore(%arg7 : memref<!tpu.dma_semaphore, #tpu.memory_space<semaphore_mem>>)
    %dma_wait3A = arith.constant 0 : i32
    %dma_wait3A_700 = arith.constant 0 : i32
    %dma_wait3A_701 = tpu.memref_slice %arg6[%dma_wait3A, %dma_wait3A_700] : memref<32x64xf32, #tpu.memory_space<vmem>> -> memref<1x64xf32, #tpu.memory_space<vmem>>
    %dma_wait3A_702 = arith.constant 0 : i32
    %dma_wait3A_703 = tpu.memref_slice %arg3[%reduce_sum3A_8, %dma_wait3A_702] : memref<100000x64xf32, #tpu.memory_space<hbm>> -> memref<1x64xf32, #tpu.memory_space<hbm>>
    %dma_wait3A_704 = arith.constant 0 : i32
    %dma_wait3A_705 = arith.constant 0 : i32
    %dma_wait3A_706 = tpu.memref_slice %arg6[%dma_wait3A_704, %dma_wait3A_705] : memref<32x64xf32, #tpu.memory_space<vmem>> -> memref<1x64xf32, #tpu.memory_space<vmem>>
    %dma_wait3A_707 = arith.constant 0 : i32
    %dma_wait3A_708 = tpu.memref_slice %arg3[%reduce_sum3A_8, %dma_wait3A_707] : memref<100000x64xf32, #tpu.memory_space<hbm>> -> memref<1x64xf32, #tpu.memory_space<hbm>>
    tpu.wait_dma2 semaphore(%arg7 : memref<!tpu.dma_semaphore, #tpu.memory_space<semaphore_mem>>) src(%dma_wait3A_708 : memref<1x64xf32, #tpu.memory_space<hbm>>) dst(%dma_wait3A_706 : memref<1x64xf32, #tpu.memory_space<vmem>>)
    %dma_wait3A_709 = arith.constant 1 : i32
    %dma_wait3A_710 = arith.constant 0 : i32
    %dma_wait3A_711 = tpu.memref_slice %arg6[%dma_wait3A_709, %dma_wait3A_710] : memref<32x64xf32, #tpu.memory_space<vmem>> -> memref<1x64xf32, #tpu.memory_space<vmem>>
    %dma_wait3A_712 = arith.constant 0 : i32
    %dma_wait3A_713 = tpu.memref_slice %arg3[%reduce_sum3A_29, %dma_wait3A_712] : memref<100000x64xf32, #tpu.memory_space<hbm>> -> memref<1x64xf32, #tpu.memory_space<hbm>>
    %dma_wait3A_714 = arith.constant 1 : i32
    %dma_wait3A_715 = arith.constant 0 : i32
    %dma_wait3A_716 = tpu.memref_slice %arg6[%dma_wait3A_714, %dma_wait3A_715] : memref<32x64xf32, #tpu.memory_space<vmem>> -> memref<1x64xf32, #tpu.memory_space<vmem>>
    %dma_wait3A_717 = arith.constant 0 : i32
    %dma_wait3A_718 = tpu.memref_slice %arg3[%reduce_sum3A_29, %dma_wait3A_717] : memref<100000x64xf32, #tpu.memory_space<hbm>> -> memref<1x64xf32, #tpu.memory_space<hbm>>
    tpu.wait_dma2 semaphore(%arg7 : memref<!tpu.dma_semaphore, #tpu.memory_space<semaphore_mem>>) src(%dma_wait3A_718 : memref<1x64xf32, #tpu.memory_space<hbm>>) dst(%dma_wait3A_716 : memref<1x64xf32, #tpu.memory_space<vmem>>)
    %dma_wait3A_719 = arith.constant 2 : i32
    %dma_wait3A_720 = arith.constant 0 : i32
    %dma_wait3A_721 = tpu.memref_slice %arg6[%dma_wait3A_719, %dma_wait3A_720] : memref<32x64xf32, #tpu.memory_space<vmem>> -> memref<1x64xf32, #tpu.memory_space<vmem>>
    %dma_wait3A_722 = arith.constant 0 : i32
    %dma_wait3A_723 = tpu.memref_slice %arg3[%reduce_sum3A_51, %dma_wait3A_722] : memref<100000x64xf32, #tpu.memory_space<hbm>> -> memref<1x64xf32, #tpu.memory_space<hbm>>
    %dma_wait3A_724 = arith.constant 2 : i32
    %dma_wait3A_725 = arith.constant 0 : i32
    %dma_wait3A_726 = tpu.memref_slice %arg6[%dma_wait3A_724, %dma_wait3A_725] : memref<32x64xf32, #tpu.memory_space<vmem>> -> memref<1x64xf32, #tpu.memory_space<vmem>>
    %dma_wait3A_727 = arith.constant 0 : i32
    %dma_wait3A_728 = tpu.memref_slice %arg3[%reduce_sum3A_51, %dma_wait3A_727] : memref<100000x64xf32, #tpu.memory_space<hbm>> -> memref<1x64xf32, #tpu.memory_space<hbm>>
    tpu.wait_dma2 semaphore(%arg7 : memref<!tpu.dma_semaphore, #tpu.memory_space<semaphore_mem>>) src(%dma_wait3A_728 : memref<1x64xf32, #tpu.memory_space<hbm>>) dst(%dma_wait3A_726 : memref<1x64xf32, #tpu.memory_space<vmem>>)
    %dma_wait3A_729 = arith.constant 3 : i32
    %dma_wait3A_730 = arith.constant 0 : i32
    %dma_wait3A_731 = tpu.memref_slice %arg6[%dma_wait3A_729, %dma_wait3A_730] : memref<32x64xf32, #tpu.memory_space<vmem>> -> memref<1x64xf32, #tpu.memory_space<vmem>>
    %dma_wait3A_732 = arith.constant 0 : i32
    %dma_wait3A_733 = tpu.memref_slice %arg3[%reduce_sum3A_73, %dma_wait3A_732] : memref<100000x64xf32, #tpu.memory_space<hbm>> -> memref<1x64xf32, #tpu.memory_space<hbm>>
    %dma_wait3A_734 = arith.constant 3 : i32
    %dma_wait3A_735 = arith.constant 0 : i32
    %dma_wait3A_736 = tpu.memref_slice %arg6[%dma_wait3A_734, %dma_wait3A_735] : memref<32x64xf32, #tpu.memory_space<vmem>> -> memref<1x64xf32, #tpu.memory_space<vmem>>
    %dma_wait3A_737 = arith.constant 0 : i32
    %dma_wait3A_738 = tpu.memref_slice %arg3[%reduce_sum3A_73, %dma_wait3A_737] : memref<100000x64xf32, #tpu.memory_space<hbm>> -> memref<1x64xf32, #tpu.memory_space<hbm>>
    tpu.wait_dma2 semaphore(%arg7 : memref<!tpu.dma_semaphore, #tpu.memory_space<semaphore_mem>>) src(%dma_wait3A_738 : memref<1x64xf32, #tpu.memory_space<hbm>>) dst(%dma_wait3A_736 : memref<1x64xf32, #tpu.memory_space<vmem>>)
    %dma_wait3A_739 = arith.constant 4 : i32
    %dma_wait3A_740 = arith.constant 0 : i32
    %dma_wait3A_741 = tpu.memref_slice %arg6[%dma_wait3A_739, %dma_wait3A_740] : memref<32x64xf32, #tpu.memory_space<vmem>> -> memref<1x64xf32, #tpu.memory_space<vmem>>
    %dma_wait3A_742 = arith.constant 0 : i32
    %dma_wait3A_743 = tpu.memref_slice %arg3[%reduce_sum3A_95, %dma_wait3A_742] : memref<100000x64xf32, #tpu.memory_space<hbm>> -> memref<1x64xf32, #tpu.memory_space<hbm>>
    %dma_wait3A_744 = arith.constant 4 : i32
    %dma_wait3A_745 = arith.constant 0 : i32
    %dma_wait3A_746 = tpu.memref_slice %arg6[%dma_wait3A_744, %dma_wait3A_745] : memref<32x64xf32, #tpu.memory_space<vmem>> -> memref<1x64xf32, #tpu.memory_space<vmem>>
    %dma_wait3A_747 = arith.constant 0 : i32
    %dma_wait3A_748 = tpu.memref_slice %arg3[%reduce_sum3A_95, %dma_wait3A_747] : memref<100000x64xf32, #tpu.memory_space<hbm>> -> memref<1x64xf32, #tpu.memory_space<hbm>>
    tpu.wait_dma2 semaphore(%arg7 : memref<!tpu.dma_semaphore, #tpu.memory_space<semaphore_mem>>) src(%dma_wait3A_748 : memref<1x64xf32, #tpu.memory_space<hbm>>) dst(%dma_wait3A_746 : memref<1x64xf32, #tpu.memory_space<vmem>>)
    %dma_wait3A_749 = arith.constant 5 : i32
    %dma_wait3A_750 = arith.constant 0 : i32
    %dma_wait3A_751 = tpu.memref_slice %arg6[%dma_wait3A_749, %dma_wait3A_750] : memref<32x64xf32, #tpu.memory_space<vmem>> -> memref<1x64xf32, #tpu.memory_space<vmem>>
    %dma_wait3A_752 = arith.constant 0 : i32
    %dma_wait3A_753 = tpu.memref_slice %arg3[%reduce_sum3A_117, %dma_wait3A_752] : memref<100000x64xf32, #tpu.memory_space<hbm>> -> memref<1x64xf32, #tpu.memory_space<hbm>>
    %dma_wait3A_754 = arith.constant 5 : i32
    %dma_wait3A_755 = arith.constant 0 : i32
    %dma_wait3A_756 = tpu.memref_slice %arg6[%dma_wait3A_754, %dma_wait3A_755] : memref<32x64xf32, #tpu.memory_space<vmem>> -> memref<1x64xf32, #tpu.memory_space<vmem>>
    %dma_wait3A_757 = arith.constant 0 : i32
    %dma_wait3A_758 = tpu.memref_slice %arg3[%reduce_sum3A_117, %dma_wait3A_757] : memref<100000x64xf32, #tpu.memory_space<hbm>> -> memref<1x64xf32, #tpu.memory_space<hbm>>
    tpu.wait_dma2 semaphore(%arg7 : memref<!tpu.dma_semaphore, #tpu.memory_space<semaphore_mem>>) src(%dma_wait3A_758 : memref<1x64xf32, #tpu.memory_space<hbm>>) dst(%dma_wait3A_756 : memref<1x64xf32, #tpu.memory_space<vmem>>)
    %dma_wait3A_759 = arith.constant 6 : i32
    %dma_wait3A_760 = arith.constant 0 : i32
    %dma_wait3A_761 = tpu.memref_slice %arg6[%dma_wait3A_759, %dma_wait3A_760] : memref<32x64xf32, #tpu.memory_space<vmem>> -> memref<1x64xf32, #tpu.memory_space<vmem>>
    %dma_wait3A_762 = arith.constant 0 : i32
    %dma_wait3A_763 = tpu.memref_slice %arg3[%reduce_sum3A_139, %dma_wait3A_762] : memref<100000x64xf32, #tpu.memory_space<hbm>> -> memref<1x64xf32, #tpu.memory_space<hbm>>
    %dma_wait3A_764 = arith.constant 6 : i32
    %dma_wait3A_765 = arith.constant 0 : i32
    %dma_wait3A_766 = tpu.memref_slice %arg6[%dma_wait3A_764, %dma_wait3A_765] : memref<32x64xf32, #tpu.memory_space<vmem>> -> memref<1x64xf32, #tpu.memory_space<vmem>>
    %dma_wait3A_767 = arith.constant 0 : i32
    %dma_wait3A_768 = tpu.memref_slice %arg3[%reduce_sum3A_139, %dma_wait3A_767] : memref<100000x64xf32, #tpu.memory_space<hbm>> -> memref<1x64xf32, #tpu.memory_space<hbm>>
    tpu.wait_dma2 semaphore(%arg7 : memref<!tpu.dma_semaphore, #tpu.memory_space<semaphore_mem>>) src(%dma_wait3A_768 : memref<1x64xf32, #tpu.memory_space<hbm>>) dst(%dma_wait3A_766 : memref<1x64xf32, #tpu.memory_space<vmem>>)
    %dma_wait3A_769 = arith.constant 7 : i32
    %dma_wait3A_770 = arith.constant 0 : i32
    %dma_wait3A_771 = tpu.memref_slice %arg6[%dma_wait3A_769, %dma_wait3A_770] : memref<32x64xf32, #tpu.memory_space<vmem>> -> memref<1x64xf32, #tpu.memory_space<vmem>>
    %dma_wait3A_772 = arith.constant 0 : i32
    %dma_wait3A_773 = tpu.memref_slice %arg3[%reduce_sum3A_161, %dma_wait3A_772] : memref<100000x64xf32, #tpu.memory_space<hbm>> -> memref<1x64xf32, #tpu.memory_space<hbm>>
    %dma_wait3A_774 = arith.constant 7 : i32
    %dma_wait3A_775 = arith.constant 0 : i32
    %dma_wait3A_776 = tpu.memref_slice %arg6[%dma_wait3A_774, %dma_wait3A_775] : memref<32x64xf32, #tpu.memory_space<vmem>> -> memref<1x64xf32, #tpu.memory_space<vmem>>
    %dma_wait3A_777 = arith.constant 0 : i32
    %dma_wait3A_778 = tpu.memref_slice %arg3[%reduce_sum3A_161, %dma_wait3A_777] : memref<100000x64xf32, #tpu.memory_space<hbm>> -> memref<1x64xf32, #tpu.memory_space<hbm>>
    tpu.wait_dma2 semaphore(%arg7 : memref<!tpu.dma_semaphore, #tpu.memory_space<semaphore_mem>>) src(%dma_wait3A_778 : memref<1x64xf32, #tpu.memory_space<hbm>>) dst(%dma_wait3A_776 : memref<1x64xf32, #tpu.memory_space<vmem>>)
    %dma_wait3A_779 = arith.constant 8 : i32
    %dma_wait3A_780 = arith.constant 0 : i32
    %dma_wait3A_781 = tpu.memref_slice %arg6[%dma_wait3A_779, %dma_wait3A_780] : memref<32x64xf32, #tpu.memory_space<vmem>> -> memref<1x64xf32, #tpu.memory_space<vmem>>
    %dma_wait3A_782 = arith.constant 0 : i32
    %dma_wait3A_783 = tpu.memref_slice %arg3[%reduce_sum3A_183, %dma_wait3A_782] : memref<100000x64xf32, #tpu.memory_space<hbm>> -> memref<1x64xf32, #tpu.memory_space<hbm>>
    %dma_wait3A_784 = arith.constant 8 : i32
    %dma_wait3A_785 = arith.constant 0 : i32
    %dma_wait3A_786 = tpu.memref_slice %arg6[%dma_wait3A_784, %dma_wait3A_785] : memref<32x64xf32, #tpu.memory_space<vmem>> -> memref<1x64xf32, #tpu.memory_space<vmem>>
    %dma_wait3A_787 = arith.constant 0 : i32
    %dma_wait3A_788 = tpu.memref_slice %arg3[%reduce_sum3A_183, %dma_wait3A_787] : memref<100000x64xf32, #tpu.memory_space<hbm>> -> memref<1x64xf32, #tpu.memory_space<hbm>>
    tpu.wait_dma2 semaphore(%arg7 : memref<!tpu.dma_semaphore, #tpu.memory_space<semaphore_mem>>) src(%dma_wait3A_788 : memref<1x64xf32, #tpu.memory_space<hbm>>) dst(%dma_wait3A_786 : memref<1x64xf32, #tpu.memory_space<vmem>>)
    %dma_wait3A_789 = arith.constant 9 : i32
    %dma_wait3A_790 = arith.constant 0 : i32
    %dma_wait3A_791 = tpu.memref_slice %arg6[%dma_wait3A_789, %dma_wait3A_790] : memref<32x64xf32, #tpu.memory_space<vmem>> -> memref<1x64xf32, #tpu.memory_space<vmem>>
    %dma_wait3A_792 = arith.constant 0 : i32
    %dma_wait3A_793 = tpu.memref_slice %arg3[%reduce_sum3A_205, %dma_wait3A_792] : memref<100000x64xf32, #tpu.memory_space<hbm>> -> memref<1x64xf32, #tpu.memory_space<hbm>>
    %dma_wait3A_794 = arith.constant 9 : i32
    %dma_wait3A_795 = arith.constant 0 : i32
    %dma_wait3A_796 = tpu.memref_slice %arg6[%dma_wait3A_794, %dma_wait3A_795] : memref<32x64xf32, #tpu.memory_space<vmem>> -> memref<1x64xf32, #tpu.memory_space<vmem>>
    %dma_wait3A_797 = arith.constant 0 : i32
    %dma_wait3A_798 = tpu.memref_slice %arg3[%reduce_sum3A_205, %dma_wait3A_797] : memref<100000x64xf32, #tpu.memory_space<hbm>> -> memref<1x64xf32, #tpu.memory_space<hbm>>
    tpu.wait_dma2 semaphore(%arg7 : memref<!tpu.dma_semaphore, #tpu.memory_space<semaphore_mem>>) src(%dma_wait3A_798 : memref<1x64xf32, #tpu.memory_space<hbm>>) dst(%dma_wait3A_796 : memref<1x64xf32, #tpu.memory_space<vmem>>)
    %dma_wait3A_799 = arith.constant 10 : i32
    %dma_wait3A_800 = arith.constant 0 : i32
    %dma_wait3A_801 = tpu.memref_slice %arg6[%dma_wait3A_799, %dma_wait3A_800] : memref<32x64xf32, #tpu.memory_space<vmem>> -> memref<1x64xf32, #tpu.memory_space<vmem>>
    %dma_wait3A_802 = arith.constant 0 : i32
    %dma_wait3A_803 = tpu.memref_slice %arg3[%reduce_sum3A_227, %dma_wait3A_802] : memref<100000x64xf32, #tpu.memory_space<hbm>> -> memref<1x64xf32, #tpu.memory_space<hbm>>
    %dma_wait3A_804 = arith.constant 10 : i32
    %dma_wait3A_805 = arith.constant 0 : i32
    %dma_wait3A_806 = tpu.memref_slice %arg6[%dma_wait3A_804, %dma_wait3A_805] : memref<32x64xf32, #tpu.memory_space<vmem>> -> memref<1x64xf32, #tpu.memory_space<vmem>>
    %dma_wait3A_807 = arith.constant 0 : i32
    %dma_wait3A_808 = tpu.memref_slice %arg3[%reduce_sum3A_227, %dma_wait3A_807] : memref<100000x64xf32, #tpu.memory_space<hbm>> -> memref<1x64xf32, #tpu.memory_space<hbm>>
    tpu.wait_dma2 semaphore(%arg7 : memref<!tpu.dma_semaphore, #tpu.memory_space<semaphore_mem>>) src(%dma_wait3A_808 : memref<1x64xf32, #tpu.memory_space<hbm>>) dst(%dma_wait3A_806 : memref<1x64xf32, #tpu.memory_space<vmem>>)
    %dma_wait3A_809 = arith.constant 11 : i32
    %dma_wait3A_810 = arith.constant 0 : i32
    %dma_wait3A_811 = tpu.memref_slice %arg6[%dma_wait3A_809, %dma_wait3A_810] : memref<32x64xf32, #tpu.memory_space<vmem>> -> memref<1x64xf32, #tpu.memory_space<vmem>>
    %dma_wait3A_812 = arith.constant 0 : i32
    %dma_wait3A_813 = tpu.memref_slice %arg3[%reduce_sum3A_249, %dma_wait3A_812] : memref<100000x64xf32, #tpu.memory_space<hbm>> -> memref<1x64xf32, #tpu.memory_space<hbm>>
    %dma_wait3A_814 = arith.constant 11 : i32
    %dma_wait3A_815 = arith.constant 0 : i32
    %dma_wait3A_816 = tpu.memref_slice %arg6[%dma_wait3A_814, %dma_wait3A_815] : memref<32x64xf32, #tpu.memory_space<vmem>> -> memref<1x64xf32, #tpu.memory_space<vmem>>
    %dma_wait3A_817 = arith.constant 0 : i32
    %dma_wait3A_818 = tpu.memref_slice %arg3[%reduce_sum3A_249, %dma_wait3A_817] : memref<100000x64xf32, #tpu.memory_space<hbm>> -> memref<1x64xf32, #tpu.memory_space<hbm>>
    tpu.wait_dma2 semaphore(%arg7 : memref<!tpu.dma_semaphore, #tpu.memory_space<semaphore_mem>>) src(%dma_wait3A_818 : memref<1x64xf32, #tpu.memory_space<hbm>>) dst(%dma_wait3A_816 : memref<1x64xf32, #tpu.memory_space<vmem>>)
    %dma_wait3A_819 = arith.constant 12 : i32
    %dma_wait3A_820 = arith.constant 0 : i32
    %dma_wait3A_821 = tpu.memref_slice %arg6[%dma_wait3A_819, %dma_wait3A_820] : memref<32x64xf32, #tpu.memory_space<vmem>> -> memref<1x64xf32, #tpu.memory_space<vmem>>
    %dma_wait3A_822 = arith.constant 0 : i32
    %dma_wait3A_823 = tpu.memref_slice %arg3[%reduce_sum3A_271, %dma_wait3A_822] : memref<100000x64xf32, #tpu.memory_space<hbm>> -> memref<1x64xf32, #tpu.memory_space<hbm>>
    %dma_wait3A_824 = arith.constant 12 : i32
    %dma_wait3A_825 = arith.constant 0 : i32
    %dma_wait3A_826 = tpu.memref_slice %arg6[%dma_wait3A_824, %dma_wait3A_825] : memref<32x64xf32, #tpu.memory_space<vmem>> -> memref<1x64xf32, #tpu.memory_space<vmem>>
    %dma_wait3A_827 = arith.constant 0 : i32
    %dma_wait3A_828 = tpu.memref_slice %arg3[%reduce_sum3A_271, %dma_wait3A_827] : memref<100000x64xf32, #tpu.memory_space<hbm>> -> memref<1x64xf32, #tpu.memory_space<hbm>>
    tpu.wait_dma2 semaphore(%arg7 : memref<!tpu.dma_semaphore, #tpu.memory_space<semaphore_mem>>) src(%dma_wait3A_828 : memref<1x64xf32, #tpu.memory_space<hbm>>) dst(%dma_wait3A_826 : memref<1x64xf32, #tpu.memory_space<vmem>>)
    %dma_wait3A_829 = arith.constant 13 : i32
    %dma_wait3A_830 = arith.constant 0 : i32
    %dma_wait3A_831 = tpu.memref_slice %arg6[%dma_wait3A_829, %dma_wait3A_830] : memref<32x64xf32, #tpu.memory_space<vmem>> -> memref<1x64xf32, #tpu.memory_space<vmem>>
    %dma_wait3A_832 = arith.constant 0 : i32
    %dma_wait3A_833 = tpu.memref_slice %arg3[%reduce_sum3A_293, %dma_wait3A_832] : memref<100000x64xf32, #tpu.memory_space<hbm>> -> memref<1x64xf32, #tpu.memory_space<hbm>>
    %dma_wait3A_834 = arith.constant 13 : i32
    %dma_wait3A_835 = arith.constant 0 : i32
    %dma_wait3A_836 = tpu.memref_slice %arg6[%dma_wait3A_834, %dma_wait3A_835] : memref<32x64xf32, #tpu.memory_space<vmem>> -> memref<1x64xf32, #tpu.memory_space<vmem>>
    %dma_wait3A_837 = arith.constant 0 : i32
    %dma_wait3A_838 = tpu.memref_slice %arg3[%reduce_sum3A_293, %dma_wait3A_837] : memref<100000x64xf32, #tpu.memory_space<hbm>> -> memref<1x64xf32, #tpu.memory_space<hbm>>
    tpu.wait_dma2 semaphore(%arg7 : memref<!tpu.dma_semaphore, #tpu.memory_space<semaphore_mem>>) src(%dma_wait3A_838 : memref<1x64xf32, #tpu.memory_space<hbm>>) dst(%dma_wait3A_836 : memref<1x64xf32, #tpu.memory_space<vmem>>)
    %dma_wait3A_839 = arith.constant 14 : i32
    %dma_wait3A_840 = arith.constant 0 : i32
    %dma_wait3A_841 = tpu.memref_slice %arg6[%dma_wait3A_839, %dma_wait3A_840] : memref<32x64xf32, #tpu.memory_space<vmem>> -> memref<1x64xf32, #tpu.memory_space<vmem>>
    %dma_wait3A_842 = arith.constant 0 : i32
    %dma_wait3A_843 = tpu.memref_slice %arg3[%reduce_sum3A_315, %dma_wait3A_842] : memref<100000x64xf32, #tpu.memory_space<hbm>> -> memref<1x64xf32, #tpu.memory_space<hbm>>
    %dma_wait3A_844 = arith.constant 14 : i32
    %dma_wait3A_845 = arith.constant 0 : i32
    %dma_wait3A_846 = tpu.memref_slice %arg6[%dma_wait3A_844, %dma_wait3A_845] : memref<32x64xf32, #tpu.memory_space<vmem>> -> memref<1x64xf32, #tpu.memory_space<vmem>>
    %dma_wait3A_847 = arith.constant 0 : i32
    %dma_wait3A_848 = tpu.memref_slice %arg3[%reduce_sum3A_315, %dma_wait3A_847] : memref<100000x64xf32, #tpu.memory_space<hbm>> -> memref<1x64xf32, #tpu.memory_space<hbm>>
    tpu.wait_dma2 semaphore(%arg7 : memref<!tpu.dma_semaphore, #tpu.memory_space<semaphore_mem>>) src(%dma_wait3A_848 : memref<1x64xf32, #tpu.memory_space<hbm>>) dst(%dma_wait3A_846 : memref<1x64xf32, #tpu.memory_space<vmem>>)
    %dma_wait3A_849 = arith.constant 15 : i32
    %dma_wait3A_850 = arith.constant 0 : i32
    %dma_wait3A_851 = tpu.memref_slice %arg6[%dma_wait3A_849, %dma_wait3A_850] : memref<32x64xf32, #tpu.memory_space<vmem>> -> memref<1x64xf32, #tpu.memory_space<vmem>>
    %dma_wait3A_852 = arith.constant 0 : i32
    %dma_wait3A_853 = tpu.memref_slice %arg3[%reduce_sum3A_337, %dma_wait3A_852] : memref<100000x64xf32, #tpu.memory_space<hbm>> -> memref<1x64xf32, #tpu.memory_space<hbm>>
    %dma_wait3A_854 = arith.constant 15 : i32
    %dma_wait3A_855 = arith.constant 0 : i32
    %dma_wait3A_856 = tpu.memref_slice %arg6[%dma_wait3A_854, %dma_wait3A_855] : memref<32x64xf32, #tpu.memory_space<vmem>> -> memref<1x64xf32, #tpu.memory_space<vmem>>
    %dma_wait3A_857 = arith.constant 0 : i32
    %dma_wait3A_858 = tpu.memref_slice %arg3[%reduce_sum3A_337, %dma_wait3A_857] : memref<100000x64xf32, #tpu.memory_space<hbm>> -> memref<1x64xf32, #tpu.memory_space<hbm>>
    tpu.wait_dma2 semaphore(%arg7 : memref<!tpu.dma_semaphore, #tpu.memory_space<semaphore_mem>>) src(%dma_wait3A_858 : memref<1x64xf32, #tpu.memory_space<hbm>>) dst(%dma_wait3A_856 : memref<1x64xf32, #tpu.memory_space<vmem>>)
    %dma_wait3A_859 = arith.constant 16 : i32
    %dma_wait3A_860 = arith.constant 0 : i32
    %dma_wait3A_861 = tpu.memref_slice %arg6[%dma_wait3A_859, %dma_wait3A_860] : memref<32x64xf32, #tpu.memory_space<vmem>> -> memref<1x64xf32, #tpu.memory_space<vmem>>
    %dma_wait3A_862 = arith.constant 0 : i32
    %dma_wait3A_863 = tpu.memref_slice %arg3[%reduce_sum3A_359, %dma_wait3A_862] : memref<100000x64xf32, #tpu.memory_space<hbm>> -> memref<1x64xf32, #tpu.memory_space<hbm>>
    %dma_wait3A_864 = arith.constant 16 : i32
    %dma_wait3A_865 = arith.constant 0 : i32
    %dma_wait3A_866 = tpu.memref_slice %arg6[%dma_wait3A_864, %dma_wait3A_865] : memref<32x64xf32, #tpu.memory_space<vmem>> -> memref<1x64xf32, #tpu.memory_space<vmem>>
    %dma_wait3A_867 = arith.constant 0 : i32
    %dma_wait3A_868 = tpu.memref_slice %arg3[%reduce_sum3A_359, %dma_wait3A_867] : memref<100000x64xf32, #tpu.memory_space<hbm>> -> memref<1x64xf32, #tpu.memory_space<hbm>>
    tpu.wait_dma2 semaphore(%arg7 : memref<!tpu.dma_semaphore, #tpu.memory_space<semaphore_mem>>) src(%dma_wait3A_868 : memref<1x64xf32, #tpu.memory_space<hbm>>) dst(%dma_wait3A_866 : memref<1x64xf32, #tpu.memory_space<vmem>>)
    %dma_wait3A_869 = arith.constant 17 : i32
    %dma_wait3A_870 = arith.constant 0 : i32
    %dma_wait3A_871 = tpu.memref_slice %arg6[%dma_wait3A_869, %dma_wait3A_870] : memref<32x64xf32, #tpu.memory_space<vmem>> -> memref<1x64xf32, #tpu.memory_space<vmem>>
    %dma_wait3A_872 = arith.constant 0 : i32
    %dma_wait3A_873 = tpu.memref_slice %arg3[%reduce_sum3A_381, %dma_wait3A_872] : memref<100000x64xf32, #tpu.memory_space<hbm>> -> memref<1x64xf32, #tpu.memory_space<hbm>>
    %dma_wait3A_874 = arith.constant 17 : i32
    %dma_wait3A_875 = arith.constant 0 : i32
    %dma_wait3A_876 = tpu.memref_slice %arg6[%dma_wait3A_874, %dma_wait3A_875] : memref<32x64xf32, #tpu.memory_space<vmem>> -> memref<1x64xf32, #tpu.memory_space<vmem>>
    %dma_wait3A_877 = arith.constant 0 : i32
    %dma_wait3A_878 = tpu.memref_slice %arg3[%reduce_sum3A_381, %dma_wait3A_877] : memref<100000x64xf32, #tpu.memory_space<hbm>> -> memref<1x64xf32, #tpu.memory_space<hbm>>
    tpu.wait_dma2 semaphore(%arg7 : memref<!tpu.dma_semaphore, #tpu.memory_space<semaphore_mem>>) src(%dma_wait3A_878 : memref<1x64xf32, #tpu.memory_space<hbm>>) dst(%dma_wait3A_876 : memref<1x64xf32, #tpu.memory_space<vmem>>)
    %dma_wait3A_879 = arith.constant 18 : i32
    %dma_wait3A_880 = arith.constant 0 : i32
    %dma_wait3A_881 = tpu.memref_slice %arg6[%dma_wait3A_879, %dma_wait3A_880] : memref<32x64xf32, #tpu.memory_space<vmem>> -> memref<1x64xf32, #tpu.memory_space<vmem>>
    %dma_wait3A_882 = arith.constant 0 : i32
    %dma_wait3A_883 = tpu.memref_slice %arg3[%reduce_sum3A_403, %dma_wait3A_882] : memref<100000x64xf32, #tpu.memory_space<hbm>> -> memref<1x64xf32, #tpu.memory_space<hbm>>
    %dma_wait3A_884 = arith.constant 18 : i32
    %dma_wait3A_885 = arith.constant 0 : i32
    %dma_wait3A_886 = tpu.memref_slice %arg6[%dma_wait3A_884, %dma_wait3A_885] : memref<32x64xf32, #tpu.memory_space<vmem>> -> memref<1x64xf32, #tpu.memory_space<vmem>>
    %dma_wait3A_887 = arith.constant 0 : i32
    %dma_wait3A_888 = tpu.memref_slice %arg3[%reduce_sum3A_403, %dma_wait3A_887] : memref<100000x64xf32, #tpu.memory_space<hbm>> -> memref<1x64xf32, #tpu.memory_space<hbm>>
    tpu.wait_dma2 semaphore(%arg7 : memref<!tpu.dma_semaphore, #tpu.memory_space<semaphore_mem>>) src(%dma_wait3A_888 : memref<1x64xf32, #tpu.memory_space<hbm>>) dst(%dma_wait3A_886 : memref<1x64xf32, #tpu.memory_space<vmem>>)
    %dma_wait3A_889 = arith.constant 19 : i32
    %dma_wait3A_890 = arith.constant 0 : i32
    %dma_wait3A_891 = tpu.memref_slice %arg6[%dma_wait3A_889, %dma_wait3A_890] : memref<32x64xf32, #tpu.memory_space<vmem>> -> memref<1x64xf32, #tpu.memory_space<vmem>>
    %dma_wait3A_892 = arith.constant 0 : i32
    %dma_wait3A_893 = tpu.memref_slice %arg3[%reduce_sum3A_425, %dma_wait3A_892] : memref<100000x64xf32, #tpu.memory_space<hbm>> -> memref<1x64xf32, #tpu.memory_space<hbm>>
    %dma_wait3A_894 = arith.constant 19 : i32
    %dma_wait3A_895 = arith.constant 0 : i32
    %dma_wait3A_896 = tpu.memref_slice %arg6[%dma_wait3A_894, %dma_wait3A_895] : memref<32x64xf32, #tpu.memory_space<vmem>> -> memref<1x64xf32, #tpu.memory_space<vmem>>
    %dma_wait3A_897 = arith.constant 0 : i32
    %dma_wait3A_898 = tpu.memref_slice %arg3[%reduce_sum3A_425, %dma_wait3A_897] : memref<100000x64xf32, #tpu.memory_space<hbm>> -> memref<1x64xf32, #tpu.memory_space<hbm>>
    tpu.wait_dma2 semaphore(%arg7 : memref<!tpu.dma_semaphore, #tpu.memory_space<semaphore_mem>>) src(%dma_wait3A_898 : memref<1x64xf32, #tpu.memory_space<hbm>>) dst(%dma_wait3A_896 : memref<1x64xf32, #tpu.memory_space<vmem>>)
    %dma_wait3A_899 = arith.constant 20 : i32
    %dma_wait3A_900 = arith.constant 0 : i32
    %dma_wait3A_901 = tpu.memref_slice %arg6[%dma_wait3A_899, %dma_wait3A_900] : memref<32x64xf32, #tpu.memory_space<vmem>> -> memref<1x64xf32, #tpu.memory_space<vmem>>
    %dma_wait3A_902 = arith.constant 0 : i32
    %dma_wait3A_903 = tpu.memref_slice %arg3[%reduce_sum3A_447, %dma_wait3A_902] : memref<100000x64xf32, #tpu.memory_space<hbm>> -> memref<1x64xf32, #tpu.memory_space<hbm>>
    %dma_wait3A_904 = arith.constant 20 : i32
    %dma_wait3A_905 = arith.constant 0 : i32
    %dma_wait3A_906 = tpu.memref_slice %arg6[%dma_wait3A_904, %dma_wait3A_905] : memref<32x64xf32, #tpu.memory_space<vmem>> -> memref<1x64xf32, #tpu.memory_space<vmem>>
    %dma_wait3A_907 = arith.constant 0 : i32
    %dma_wait3A_908 = tpu.memref_slice %arg3[%reduce_sum3A_447, %dma_wait3A_907] : memref<100000x64xf32, #tpu.memory_space<hbm>> -> memref<1x64xf32, #tpu.memory_space<hbm>>
    tpu.wait_dma2 semaphore(%arg7 : memref<!tpu.dma_semaphore, #tpu.memory_space<semaphore_mem>>) src(%dma_wait3A_908 : memref<1x64xf32, #tpu.memory_space<hbm>>) dst(%dma_wait3A_906 : memref<1x64xf32, #tpu.memory_space<vmem>>)
    %dma_wait3A_909 = arith.constant 21 : i32
    %dma_wait3A_910 = arith.constant 0 : i32
    %dma_wait3A_911 = tpu.memref_slice %arg6[%dma_wait3A_909, %dma_wait3A_910] : memref<32x64xf32, #tpu.memory_space<vmem>> -> memref<1x64xf32, #tpu.memory_space<vmem>>
    %dma_wait3A_912 = arith.constant 0 : i32
    %dma_wait3A_913 = tpu.memref_slice %arg3[%reduce_sum3A_469, %dma_wait3A_912] : memref<100000x64xf32, #tpu.memory_space<hbm>> -> memref<1x64xf32, #tpu.memory_space<hbm>>
    %dma_wait3A_914 = arith.constant 21 : i32
    %dma_wait3A_915 = arith.constant 0 : i32
    %dma_wait3A_916 = tpu.memref_slice %arg6[%dma_wait3A_914, %dma_wait3A_915] : memref<32x64xf32, #tpu.memory_space<vmem>> -> memref<1x64xf32, #tpu.memory_space<vmem>>
    %dma_wait3A_917 = arith.constant 0 : i32
    %dma_wait3A_918 = tpu.memref_slice %arg3[%reduce_sum3A_469, %dma_wait3A_917] : memref<100000x64xf32, #tpu.memory_space<hbm>> -> memref<1x64xf32, #tpu.memory_space<hbm>>
    tpu.wait_dma2 semaphore(%arg7 : memref<!tpu.dma_semaphore, #tpu.memory_space<semaphore_mem>>) src(%dma_wait3A_918 : memref<1x64xf32, #tpu.memory_space<hbm>>) dst(%dma_wait3A_916 : memref<1x64xf32, #tpu.memory_space<vmem>>)
    %dma_wait3A_919 = arith.constant 22 : i32
    %dma_wait3A_920 = arith.constant 0 : i32
    %dma_wait3A_921 = tpu.memref_slice %arg6[%dma_wait3A_919, %dma_wait3A_920] : memref<32x64xf32, #tpu.memory_space<vmem>> -> memref<1x64xf32, #tpu.memory_space<vmem>>
    %dma_wait3A_922 = arith.constant 0 : i32
    %dma_wait3A_923 = tpu.memref_slice %arg3[%reduce_sum3A_491, %dma_wait3A_922] : memref<100000x64xf32, #tpu.memory_space<hbm>> -> memref<1x64xf32, #tpu.memory_space<hbm>>
    %dma_wait3A_924 = arith.constant 22 : i32
    %dma_wait3A_925 = arith.constant 0 : i32
    %dma_wait3A_926 = tpu.memref_slice %arg6[%dma_wait3A_924, %dma_wait3A_925] : memref<32x64xf32, #tpu.memory_space<vmem>> -> memref<1x64xf32, #tpu.memory_space<vmem>>
    %dma_wait3A_927 = arith.constant 0 : i32
    %dma_wait3A_928 = tpu.memref_slice %arg3[%reduce_sum3A_491, %dma_wait3A_927] : memref<100000x64xf32, #tpu.memory_space<hbm>> -> memref<1x64xf32, #tpu.memory_space<hbm>>
    tpu.wait_dma2 semaphore(%arg7 : memref<!tpu.dma_semaphore, #tpu.memory_space<semaphore_mem>>) src(%dma_wait3A_928 : memref<1x64xf32, #tpu.memory_space<hbm>>) dst(%dma_wait3A_926 : memref<1x64xf32, #tpu.memory_space<vmem>>)
    %dma_wait3A_929 = arith.constant 23 : i32
    %dma_wait3A_930 = arith.constant 0 : i32
    %dma_wait3A_931 = tpu.memref_slice %arg6[%dma_wait3A_929, %dma_wait3A_930] : memref<32x64xf32, #tpu.memory_space<vmem>> -> memref<1x64xf32, #tpu.memory_space<vmem>>
    %dma_wait3A_932 = arith.constant 0 : i32
    %dma_wait3A_933 = tpu.memref_slice %arg3[%reduce_sum3A_513, %dma_wait3A_932] : memref<100000x64xf32, #tpu.memory_space<hbm>> -> memref<1x64xf32, #tpu.memory_space<hbm>>
    %dma_wait3A_934 = arith.constant 23 : i32
    %dma_wait3A_935 = arith.constant 0 : i32
    %dma_wait3A_936 = tpu.memref_slice %arg6[%dma_wait3A_934, %dma_wait3A_935] : memref<32x64xf32, #tpu.memory_space<vmem>> -> memref<1x64xf32, #tpu.memory_space<vmem>>
    %dma_wait3A_937 = arith.constant 0 : i32
    %dma_wait3A_938 = tpu.memref_slice %arg3[%reduce_sum3A_513, %dma_wait3A_937] : memref<100000x64xf32, #tpu.memory_space<hbm>> -> memref<1x64xf32, #tpu.memory_space<hbm>>
    tpu.wait_dma2 semaphore(%arg7 : memref<!tpu.dma_semaphore, #tpu.memory_space<semaphore_mem>>) src(%dma_wait3A_938 : memref<1x64xf32, #tpu.memory_space<hbm>>) dst(%dma_wait3A_936 : memref<1x64xf32, #tpu.memory_space<vmem>>)
    %dma_wait3A_939 = arith.constant 24 : i32
    %dma_wait3A_940 = arith.constant 0 : i32
    %dma_wait3A_941 = tpu.memref_slice %arg6[%dma_wait3A_939, %dma_wait3A_940] : memref<32x64xf32, #tpu.memory_space<vmem>> -> memref<1x64xf32, #tpu.memory_space<vmem>>
    %dma_wait3A_942 = arith.constant 0 : i32
    %dma_wait3A_943 = tpu.memref_slice %arg3[%reduce_sum3A_535, %dma_wait3A_942] : memref<100000x64xf32, #tpu.memory_space<hbm>> -> memref<1x64xf32, #tpu.memory_space<hbm>>
    %dma_wait3A_944 = arith.constant 24 : i32
    %dma_wait3A_945 = arith.constant 0 : i32
    %dma_wait3A_946 = tpu.memref_slice %arg6[%dma_wait3A_944, %dma_wait3A_945] : memref<32x64xf32, #tpu.memory_space<vmem>> -> memref<1x64xf32, #tpu.memory_space<vmem>>
    %dma_wait3A_947 = arith.constant 0 : i32
    %dma_wait3A_948 = tpu.memref_slice %arg3[%reduce_sum3A_535, %dma_wait3A_947] : memref<100000x64xf32, #tpu.memory_space<hbm>> -> memref<1x64xf32, #tpu.memory_space<hbm>>
    tpu.wait_dma2 semaphore(%arg7 : memref<!tpu.dma_semaphore, #tpu.memory_space<semaphore_mem>>) src(%dma_wait3A_948 : memref<1x64xf32, #tpu.memory_space<hbm>>) dst(%dma_wait3A_946 : memref<1x64xf32, #tpu.memory_space<vmem>>)
    %dma_wait3A_949 = arith.constant 25 : i32
    %dma_wait3A_950 = arith.constant 0 : i32
    %dma_wait3A_951 = tpu.memref_slice %arg6[%dma_wait3A_949, %dma_wait3A_950] : memref<32x64xf32, #tpu.memory_space<vmem>> -> memref<1x64xf32, #tpu.memory_space<vmem>>
    %dma_wait3A_952 = arith.constant 0 : i32
    %dma_wait3A_953 = tpu.memref_slice %arg3[%reduce_sum3A_557, %dma_wait3A_952] : memref<100000x64xf32, #tpu.memory_space<hbm>> -> memref<1x64xf32, #tpu.memory_space<hbm>>
    %dma_wait3A_954 = arith.constant 25 : i32
    %dma_wait3A_955 = arith.constant 0 : i32
    %dma_wait3A_956 = tpu.memref_slice %arg6[%dma_wait3A_954, %dma_wait3A_955] : memref<32x64xf32, #tpu.memory_space<vmem>> -> memref<1x64xf32, #tpu.memory_space<vmem>>
    %dma_wait3A_957 = arith.constant 0 : i32
    %dma_wait3A_958 = tpu.memref_slice %arg3[%reduce_sum3A_557, %dma_wait3A_957] : memref<100000x64xf32, #tpu.memory_space<hbm>> -> memref<1x64xf32, #tpu.memory_space<hbm>>
    tpu.wait_dma2 semaphore(%arg7 : memref<!tpu.dma_semaphore, #tpu.memory_space<semaphore_mem>>) src(%dma_wait3A_958 : memref<1x64xf32, #tpu.memory_space<hbm>>) dst(%dma_wait3A_956 : memref<1x64xf32, #tpu.memory_space<vmem>>)
    %dma_wait3A_959 = arith.constant 26 : i32
    %dma_wait3A_960 = arith.constant 0 : i32
    %dma_wait3A_961 = tpu.memref_slice %arg6[%dma_wait3A_959, %dma_wait3A_960] : memref<32x64xf32, #tpu.memory_space<vmem>> -> memref<1x64xf32, #tpu.memory_space<vmem>>
    %dma_wait3A_962 = arith.constant 0 : i32
    %dma_wait3A_963 = tpu.memref_slice %arg3[%reduce_sum3A_579, %dma_wait3A_962] : memref<100000x64xf32, #tpu.memory_space<hbm>> -> memref<1x64xf32, #tpu.memory_space<hbm>>
    %dma_wait3A_964 = arith.constant 26 : i32
    %dma_wait3A_965 = arith.constant 0 : i32
    %dma_wait3A_966 = tpu.memref_slice %arg6[%dma_wait3A_964, %dma_wait3A_965] : memref<32x64xf32, #tpu.memory_space<vmem>> -> memref<1x64xf32, #tpu.memory_space<vmem>>
    %dma_wait3A_967 = arith.constant 0 : i32
    %dma_wait3A_968 = tpu.memref_slice %arg3[%reduce_sum3A_579, %dma_wait3A_967] : memref<100000x64xf32, #tpu.memory_space<hbm>> -> memref<1x64xf32, #tpu.memory_space<hbm>>
    tpu.wait_dma2 semaphore(%arg7 : memref<!tpu.dma_semaphore, #tpu.memory_space<semaphore_mem>>) src(%dma_wait3A_968 : memref<1x64xf32, #tpu.memory_space<hbm>>) dst(%dma_wait3A_966 : memref<1x64xf32, #tpu.memory_space<vmem>>)
    %dma_wait3A_969 = arith.constant 27 : i32
    %dma_wait3A_970 = arith.constant 0 : i32
    %dma_wait3A_971 = tpu.memref_slice %arg6[%dma_wait3A_969, %dma_wait3A_970] : memref<32x64xf32, #tpu.memory_space<vmem>> -> memref<1x64xf32, #tpu.memory_space<vmem>>
    %dma_wait3A_972 = arith.constant 0 : i32
    %dma_wait3A_973 = tpu.memref_slice %arg3[%reduce_sum3A_601, %dma_wait3A_972] : memref<100000x64xf32, #tpu.memory_space<hbm>> -> memref<1x64xf32, #tpu.memory_space<hbm>>
    %dma_wait3A_974 = arith.constant 27 : i32
    %dma_wait3A_975 = arith.constant 0 : i32
    %dma_wait3A_976 = tpu.memref_slice %arg6[%dma_wait3A_974, %dma_wait3A_975] : memref<32x64xf32, #tpu.memory_space<vmem>> -> memref<1x64xf32, #tpu.memory_space<vmem>>
    %dma_wait3A_977 = arith.constant 0 : i32
    %dma_wait3A_978 = tpu.memref_slice %arg3[%reduce_sum3A_601, %dma_wait3A_977] : memref<100000x64xf32, #tpu.memory_space<hbm>> -> memref<1x64xf32, #tpu.memory_space<hbm>>
    tpu.wait_dma2 semaphore(%arg7 : memref<!tpu.dma_semaphore, #tpu.memory_space<semaphore_mem>>) src(%dma_wait3A_978 : memref<1x64xf32, #tpu.memory_space<hbm>>) dst(%dma_wait3A_976 : memref<1x64xf32, #tpu.memory_space<vmem>>)
    %dma_wait3A_979 = arith.constant 28 : i32
    %dma_wait3A_980 = arith.constant 0 : i32
    %dma_wait3A_981 = tpu.memref_slice %arg6[%dma_wait3A_979, %dma_wait3A_980] : memref<32x64xf32, #tpu.memory_space<vmem>> -> memref<1x64xf32, #tpu.memory_space<vmem>>
    %dma_wait3A_982 = arith.constant 0 : i32
    %dma_wait3A_983 = tpu.memref_slice %arg3[%reduce_sum3A_623, %dma_wait3A_982] : memref<100000x64xf32, #tpu.memory_space<hbm>> -> memref<1x64xf32, #tpu.memory_space<hbm>>
    %dma_wait3A_984 = arith.constant 28 : i32
    %dma_wait3A_985 = arith.constant 0 : i32
    %dma_wait3A_986 = tpu.memref_slice %arg6[%dma_wait3A_984, %dma_wait3A_985] : memref<32x64xf32, #tpu.memory_space<vmem>> -> memref<1x64xf32, #tpu.memory_space<vmem>>
    %dma_wait3A_987 = arith.constant 0 : i32
    %dma_wait3A_988 = tpu.memref_slice %arg3[%reduce_sum3A_623, %dma_wait3A_987] : memref<100000x64xf32, #tpu.memory_space<hbm>> -> memref<1x64xf32, #tpu.memory_space<hbm>>
    tpu.wait_dma2 semaphore(%arg7 : memref<!tpu.dma_semaphore, #tpu.memory_space<semaphore_mem>>) src(%dma_wait3A_988 : memref<1x64xf32, #tpu.memory_space<hbm>>) dst(%dma_wait3A_986 : memref<1x64xf32, #tpu.memory_space<vmem>>)
    %dma_wait3A_989 = arith.constant 29 : i32
    %dma_wait3A_990 = arith.constant 0 : i32
    %dma_wait3A_991 = tpu.memref_slice %arg6[%dma_wait3A_989, %dma_wait3A_990] : memref<32x64xf32, #tpu.memory_space<vmem>> -> memref<1x64xf32, #tpu.memory_space<vmem>>
    %dma_wait3A_992 = arith.constant 0 : i32
    %dma_wait3A_993 = tpu.memref_slice %arg3[%reduce_sum3A_645, %dma_wait3A_992] : memref<100000x64xf32, #tpu.memory_space<hbm>> -> memref<1x64xf32, #tpu.memory_space<hbm>>
    %dma_wait3A_994 = arith.constant 29 : i32
    %dma_wait3A_995 = arith.constant 0 : i32
    %dma_wait3A_996 = tpu.memref_slice %arg6[%dma_wait3A_994, %dma_wait3A_995] : memref<32x64xf32, #tpu.memory_space<vmem>> -> memref<1x64xf32, #tpu.memory_space<vmem>>
    %dma_wait3A_997 = arith.constant 0 : i32
    %dma_wait3A_998 = tpu.memref_slice %arg3[%reduce_sum3A_645, %dma_wait3A_997] : memref<100000x64xf32, #tpu.memory_space<hbm>> -> memref<1x64xf32, #tpu.memory_space<hbm>>
    tpu.wait_dma2 semaphore(%arg7 : memref<!tpu.dma_semaphore, #tpu.memory_space<semaphore_mem>>) src(%dma_wait3A_998 : memref<1x64xf32, #tpu.memory_space<hbm>>) dst(%dma_wait3A_996 : memref<1x64xf32, #tpu.memory_space<vmem>>)
    %dma_wait3A_999 = arith.constant 30 : i32
    %dma_wait3A_1000 = arith.constant 0 : i32
    %dma_wait3A_1001 = tpu.memref_slice %arg6[%dma_wait3A_999, %dma_wait3A_1000] : memref<32x64xf32, #tpu.memory_space<vmem>> -> memref<1x64xf32, #tpu.memory_space<vmem>>
    %dma_wait3A_1002 = arith.constant 0 : i32
    %dma_wait3A_1003 = tpu.memref_slice %arg3[%reduce_sum3A_667, %dma_wait3A_1002] : memref<100000x64xf32, #tpu.memory_space<hbm>> -> memref<1x64xf32, #tpu.memory_space<hbm>>
    %dma_wait3A_1004 = arith.constant 30 : i32
    %dma_wait3A_1005 = arith.constant 0 : i32
    %dma_wait3A_1006 = tpu.memref_slice %arg6[%dma_wait3A_1004, %dma_wait3A_1005] : memref<32x64xf32, #tpu.memory_space<vmem>> -> memref<1x64xf32, #tpu.memory_space<vmem>>
    %dma_wait3A_1007 = arith.constant 0 : i32
    %dma_wait3A_1008 = tpu.memref_slice %arg3[%reduce_sum3A_667, %dma_wait3A_1007] : memref<100000x64xf32, #tpu.memory_space<hbm>> -> memref<1x64xf32, #tpu.memory_space<hbm>>
    tpu.wait_dma2 semaphore(%arg7 : memref<!tpu.dma_semaphore, #tpu.memory_space<semaphore_mem>>) src(%dma_wait3A_1008 : memref<1x64xf32, #tpu.memory_space<hbm>>) dst(%dma_wait3A_1006 : memref<1x64xf32, #tpu.memory_space<vmem>>)
    %dma_wait3A_1009 = arith.constant 31 : i32
    %dma_wait3A_1010 = arith.constant 0 : i32
    %dma_wait3A_1011 = tpu.memref_slice %arg6[%dma_wait3A_1009, %dma_wait3A_1010] : memref<32x64xf32, #tpu.memory_space<vmem>> -> memref<1x64xf32, #tpu.memory_space<vmem>>
    %dma_wait3A_1012 = arith.constant 0 : i32
    %dma_wait3A_1013 = tpu.memref_slice %arg3[%reduce_sum3A_689, %dma_wait3A_1012] : memref<100000x64xf32, #tpu.memory_space<hbm>> -> memref<1x64xf32, #tpu.memory_space<hbm>>
    %dma_wait3A_1014 = arith.constant 31 : i32
    %dma_wait3A_1015 = arith.constant 0 : i32
    %dma_wait3A_1016 = tpu.memref_slice %arg6[%dma_wait3A_1014, %dma_wait3A_1015] : memref<32x64xf32, #tpu.memory_space<vmem>> -> memref<1x64xf32, #tpu.memory_space<vmem>>
    %dma_wait3A_1017 = arith.constant 0 : i32
    %dma_wait3A_1018 = tpu.memref_slice %arg3[%reduce_sum3A_689, %dma_wait3A_1017] : memref<100000x64xf32, #tpu.memory_space<hbm>> -> memref<1x64xf32, #tpu.memory_space<hbm>>
    tpu.wait_dma2 semaphore(%arg7 : memref<!tpu.dma_semaphore, #tpu.memory_space<semaphore_mem>>) src(%dma_wait3A_1018 : memref<1x64xf32, #tpu.memory_space<hbm>>) dst(%dma_wait3A_1016 : memref<1x64xf32, #tpu.memory_space<vmem>>)
    "tpu.region"() ({
      %run_scoped3A = tpu.sem_alloc : memref<!tpu.dma_semaphore, #tpu.memory_space<semaphore_mem>>
      %dma_start3A_1019 = arith.constant 0 : i32
      %dma_start3A_1020 = tpu.memref_slice %arg4[%mul3A_2, %dma_start3A_1019] : memref<1024x64xf32, #tpu.memory_space<hbm>> -> memref<32x64xf32, #tpu.memory_space<hbm>>
      %dma_start3A_1021 = arith.constant 0 : i32
      %dma_start3A_1022 = tpu.memref_slice %arg4[%mul3A_2, %dma_start3A_1021] : memref<1024x64xf32, #tpu.memory_space<hbm>> -> memref<32x64xf32, #tpu.memory_space<hbm>>
      tpu.enqueue_dma source(%arg6 : memref<32x64xf32, #tpu.memory_space<vmem>>) target(%dma_start3A_1022 : memref<32x64xf32, #tpu.memory_space<hbm>>) target_semaphore(%run_scoped3A : memref<!tpu.dma_semaphore, #tpu.memory_space<semaphore_mem>>)
      %dma_wait3A_1023 = arith.constant 0 : i32
      %dma_wait3A_1024 = tpu.memref_slice %arg4[%mul3A_2, %dma_wait3A_1023] : memref<1024x64xf32, #tpu.memory_space<hbm>> -> memref<32x64xf32, #tpu.memory_space<hbm>>
      %dma_wait3A_1025 = arith.constant 0 : i32
      %dma_wait3A_1026 = tpu.memref_slice %arg4[%mul3A_2, %dma_wait3A_1025] : memref<1024x64xf32, #tpu.memory_space<hbm>> -> memref<32x64xf32, #tpu.memory_space<hbm>>
      tpu.wait_dma2 semaphore(%run_scoped3A : memref<!tpu.dma_semaphore, #tpu.memory_space<semaphore_mem>>) src(%arg6 : memref<32x64xf32, #tpu.memory_space<vmem>>) dst(%dma_wait3A_1026 : memref<32x64xf32, #tpu.memory_space<hbm>>)
      tpu.yield
    }) : () -> ()
    return
  }
}

module attributes {stable_mosaic.version = 14 : i64} {
  func.func @_mmt_body(%arg0: i32, %arg1: memref<1024x64xf32, #tpu.memory_space<vmem>>, %arg2: memref<64x2048xf32, #tpu.memory_space<vmem>>, %arg3: memref<1x2048xf32, #tpu.memory_space<vmem>>, %arg4: memref<2048x1024xf32, #tpu.memory_space<vmem>>, %arg5: memref<65x1024xf32, #tpu.memory_space<vmem>>) attributes {dimension_semantics = [#tpu.dimension_semantics<arbitrary>], iteration_bounds = array<i64: 49>, scalar_prefetch = 0 : i64, scratch_operands = 1 : i64, tpu.core_type = #tpu.core_type<tc>, window_params = [{pipeline_mode = #tpu.pipeline_mode<synchronous>, transform_indices = @transform_0, window_bounds = array<i64: 1024, 64>}, {transform_indices = @transform_1, window_bounds = array<i64: 64, 2048>}, {transform_indices = @transform_2, window_bounds = array<i64: 1, 2048>}, {transform_indices = @transform_3, window_bounds = array<i64: 2048, 1024>}]} {
    %eq3A = arith.constant 0 : i32
    %eq3A_0 = arith.cmpi eq, %arg0, %eq3A : i32
    %convert_element_type3A = arith.extui %eq3A_0 : i1 to i32
    %cond3A = arith.constant 0 : i32
    %cond3A_1 = arith.cmpi ne, %convert_element_type3A, %cond3A : i32
    scf.if %cond3A_1 {
      %get3A_13 = arith.constant 0 : index
      %get3A_14 = arith.constant 0 : index
      %get3A_15 = vector.load %arg1[%get3A_13, %get3A_14] : memref<1024x64xf32, #tpu.memory_space<vmem>>, vector<1024x64xf32>
      %mul3A = arith.mulf %get3A_15, %get3A_15 : vector<1024x64xf32>
      %reduce_sum3A = arith.constant dense<0.000000e+00> : vector<1024xf32>
      %reduce_sum3A_16 = vector.multi_reduction <add>, %mul3A, %reduce_sum3A [1] : vector<1024x64xf32> to vector<1024xf32>
      %broadcast_in_dim3A = vector.shape_cast %reduce_sum3A_16 : vector<1024xf32> to vector<1024x1xf32>
      %sqrt3A = math.sqrt %broadcast_in_dim3A : vector<1024x1xf32>
      %max3A = arith.constant 9.99999996E-13 : f32
      %max3A_17 = vector.broadcast %max3A : f32 to vector<1024x1xf32>
      %max3A_18 = arith.maximumf %sqrt3A, %max3A_17 : vector<1024x1xf32>
      %div3A = arith.constant 1.000000e+00 : f32
      %div3A_19 = vector.broadcast %div3A : f32 to vector<1024x1xf32>
      %div3A_20 = arith.divf %div3A_19, %max3A_18 : vector<1024x1xf32>
      %min3A = arith.constant 1.000000e+00 : f32
      %min3A_21 = vector.broadcast %min3A : f32 to vector<1024x1xf32>
      %min3A_22 = arith.minimumf %min3A_21, %div3A_20 : vector<1024x1xf32>
      %mul3A_23 = vector.broadcast %min3A_22 : vector<1024x1xf32> to vector<1024x64xf32>
      %mul3A_24 = arith.mulf %get3A_15, %mul3A_23 : vector<1024x64xf32>
      %transpose3A = tpu.transpose %mul3A_24, [1, 0] : vector<1024x64xf32> -> vector<64x1024xf32>
      %swap3A_25 = arith.constant 0 : index
      %swap3A_26 = arith.constant 0 : index
      %swap3A_27 = vector.load %arg5[%swap3A_25, %swap3A_26] : memref<65x1024xf32, #tpu.memory_space<vmem>>, vector<64x1024xf32>
      tpu.vector_store %arg5[%swap3A_25, %swap3A_26], %transpose3A {strides = array<i32>} : memref<65x1024xf32, #tpu.memory_space<vmem>>, vector<64x1024xf32>,
      %broadcast_in_dim3A_28 = arith.constant 1.000000e+00 : f32
      %broadcast_in_dim3A_29 = vector.broadcast %broadcast_in_dim3A_28 : f32 to vector<1x1024xf32>
      %swap3A_30 = arith.constant 64 : index
      %swap3A_31 = arith.constant 0 : index
      %swap3A_32 = vector.load %arg5[%swap3A_30, %swap3A_31] : memref<65x1024xf32, #tpu.memory_space<vmem>>, vector<1x1024xf32>
      tpu.vector_store %arg5[%swap3A_30, %swap3A_31], %broadcast_in_dim3A_29 {strides = array<i32>} : memref<65x1024xf32, #tpu.memory_space<vmem>>, vector<1x1024xf32>,
    } else {
    }
    %get3A = arith.constant 0 : index
    %get3A_2 = arith.constant 0 : index
    %get3A_3 = vector.load %arg2[%get3A, %get3A_2] : memref<64x2048xf32, #tpu.memory_space<vmem>>, vector<64x2048xf32>
    %get3A_4 = arith.constant 0 : index
    %get3A_5 = arith.constant 0 : index
    %get3A_6 = vector.load %arg3[%get3A_4, %get3A_5] : memref<1x2048xf32, #tpu.memory_space<vmem>>, vector<1x2048xf32>
    %concatenate3A = tpu.concatenate %get3A_3, %get3A_6 in 0 : vector<64x2048xf32>, vector<1x2048xf32> -> vector<65x2048xf32>
    %get3A_7 = arith.constant 0 : index
    %get3A_8 = arith.constant 0 : index
    %get3A_9 = vector.load %arg5[%get3A_7, %get3A_8] : memref<65x1024xf32, #tpu.memory_space<vmem>>, vector<65x1024xf32>
    %dot_general3A = arith.constant dense<0.000000e+00> : vector<2048x1024xf32>
    %dot_general3A_10 = tpu.matmul %concatenate3A, %get3A_9, %dot_general3A {dimension_numbers = #tpu.dot_dimension_numbers<[0], [0], [1], [1], [0, 1, 1, 1], [], []>, transpose_lhs_hint = false} : vector<65x2048xf32>, vector<65x1024xf32>, vector<2048x1024xf32> -> vector<2048x1024xf32>
    %swap3A = arith.constant 0 : index
    %swap3A_11 = arith.constant 0 : index
    %swap3A_12 = vector.load %arg4[%swap3A, %swap3A_11] : memref<2048x1024xf32, #tpu.memory_space<vmem>>, vector<2048x1024xf32>
    tpu.vector_store %arg4[%swap3A, %swap3A_11], %dot_general3A_10 {strides = array<i32>} : memref<2048x1024xf32, #tpu.memory_space<vmem>>, vector<2048x1024xf32>,
    return
  }
  func.func @transform_0(%arg0: i32) -> (i32, i32) {
    %c0_i32 = arith.constant 0 : i32
    %c0_i32_0 = arith.constant 0 : i32
    %c0_i32_1 = arith.constant 0 : i32
    return %c0_i32, %c0_i32_0 : i32, i32
  }
  func.func @transform_1(%arg0: i32) -> (i32, i32) {
    %c0_i32 = arith.constant 0 : i32
    %c0_i32_0 = arith.constant 0 : i32
    return %c0_i32, %arg0 : i32, i32
  }
  func.func @transform_2(%arg0: i32) -> (i32, i32) {
    %c0_i32 = arith.constant 0 : i32
    %c0_i32_0 = arith.constant 0 : i32
    return %c0_i32, %arg0 : i32, i32
  }
  func.func @transform_3(%arg0: i32) -> (i32, i32) {
    %c0_i32 = arith.constant 0 : i32
    %c0_i32_0 = arith.constant 0 : i32
    return %arg0, %c0_i32 : i32, i32
  }
}

</mosaic_0001>

<sc_bundles>
// kernel: kernel.4.cloned.1.call-start
scs
__scs_entry_jumppad:
0x0: {  	(pc) =	sbr.rel $0x88, $3  }
0x1: {  	(tag) =	ssettag $0x0;
	lr =	simm.s32 $0x1  }
0x2: {  	[smem:$0x3F9D] =	sst lr;
	_ =	strace $0xD0000000  }
0x3: {  	_ = 	snop  }
0x4: {  	_ = 	snop  }
0x5: {  	_ = 	snop  }
0x6: {  	_ = 	snop  }
0x7: {  	_ = 	snop  }
__scs_overlays_trampoline_lowered:
0x8: {  	[smem:$0x3FAC] =	sst s0  }
0x9: {  	[smem:$0x3FAD] =	sst s1  }
0xa: {  	[smem:$0x3FAE] =	sst s2  }
0xb: {  	[smem:$0x3FAF] =	sst s3  }
0xc: {  	[smem:$0x3FB0] =	sst s4  }
0xd: {  	[smem:$0x3FB1] =	sst s5  }
0xe: {  	[smem:$0x3FB2] =	sst s6  }
0xf: {  	[smem:$0x3FB3] =	sst s7  }
0x10: {  	[smem:$0x3FB4] =	sst s8  }
0x11: {  	[smem:$0x3FB5] =	sst s9;
	s0 =	simm.s32 @!p0 $0x0  }
0x12: {  	s1 =	sld [smem:$0x3F9B];
	s0 =	simm.s32 @p0 $0x1  }
0x13: {  	[smem:$0x3FB6] =	sst s0;
	s0 =	simm.s32 @!p1 $0x0  }
0x14: {  	s2 =	sld [smem:$0x3F9A];
	s0 =	simm.s32 @p1 $0x1  }
0x15: {  	[smem:$0x3FB7] =	sst s0;
	s0 =	simm.s32 @!p2 $0x0  }
0x16: {  	s3 =	sld [smem:$0x3FDB];
	s0 =	simm.s32 @p2 $0x1  }
0x17: {  	s4 =	simm.s32 $0x1BF5;
	[smem:$0x3FB9] =	sst s0  }
0x18: {  	s0 =	sld [smem:$0x3F9C];
	_ =	swait.ge [sflag:s4], $0x0  }
0x19: {  	s7 =	sld [smem:$0x3F9D]  }
0x1a: {  	s8 =	sadd.s32 $0xFFFFE003, lr  }
0x1b: {  	s9 =	sadd.s32 $0xFFFFFEF7, lr;
	s5 =	simm.s32 $0xFFFFFFFF;
	p2 =	slt.u32 s8, $0xFFFFF086  }
0x1c: {  	p1 =	slt.u32 s9, $0xF7A;
	s5 =	simm.s32 @!p2 $0x0  }
0x1d: {  	s5 =	simm.s32 @p1 $0x1;
	p0 =	seq.s32 s7, s2  }
0x1e: {  	s7 =	smul.u32 @!p0 $0xF7A, s2;
	p2 =	seq.s32 @!p0 s5, $0x0  }
0x1f: {  	s9 =	smul.u32 $0xF7A, s1;
	s8 =	simm.s32 @!p0 $0x1BF5;
	p2 =	por !p2, p0  }
0x20: {  	[sflag:s8] =	ssyncset.s32 @!p0 $0xFFFFF086;
	s6 =	sadd.s32 @!p0 s3, s7;
	s7 =	simm.s32 @!p0 $0x108  }
0x21: {  	s3 =	sadd.s32 s3, s9;
	s6 =	sadd.s32 @!p0 $0x88, s6;
	s7 =	simm.s32 @p2 $0x1082  }
0x22: {  	[simem:s7], [sflag:s8] =	dma.local @!p0 [hbm:s6], $0xF7A  }
0x23: {  	s9 =	sor.u32 $0xD0000000, s2;
	s6 =	simm.s32 $0x108;
	_ =	swait.ge @!p0 [sflag:s8], $0x0  }
0x24: {  	s3 =	sadd.s32 $0x88, s3;
	s6 =	simm.s32 @!p1 $0x1082;
	[sflag:s4] =	ssyncset.s32 $0xFFFFF086  }
0x25: {  	[simem:s6], [sflag:s4] =	dma.local [hbm:s3], $0xF7A  }
0x26: {  	[smem:$0x3F9D] =	sst s1;
	(tag) =	ssettag s2;
	_ =	strace s9  }
0x27: {  	s1 =	sld [smem:$0x3FAD]  }
0x28: {  	s2 =	sld [smem:$0x3FAE]  }
0x29: {  	s4 =	sld [smem:$0x3FB0]  }
0x2a: {  	p0 =	seq.s32 s5, $0x0;
	s5 =	sld [smem:$0x3FB1]  }
0x2b: {  	s6 =	sld [smem:$0x3FB2]  }
0x2c: {  	s7 =	sld [smem:$0x3FB3]  }
0x2d: {  	s3 =	simm.s32 $0x108;
	s8 =	sld [smem:$0x3FB4]  }
0x2e: {  	s3 =	simm.s32 @!p0 $0x1082;
	s9 =	sld [smem:$0x3FB5]  }
0x2f: {  	lr =	sadd.s32 s0, s3;
	s0 =	sld [smem:$0x3FAC]  }
0x30: {  	s3 =	sld [smem:$0x3FAF]  }
0x31: {  	[smem:$0x3FB8] =	sst s10  }
0x32: {  	s10 =	sld [smem:$0x3FB6];
	_ =	sdelay $0x3  }
0x33: {  	p0 =	seq.s32 s10, $0x1;
	s10 =	sld [smem:$0x3FB8];
	_ =	sdelay $0x3  }
0x34: {  	[smem:$0x3FB8] =	sst s10  }
0x35: {  	s10 =	sld [smem:$0x3FB7];
	_ =	sdelay $0x3  }
0x36: {  	p1 =	seq.s32 s10, $0x1;
	s10 =	sld [smem:$0x3FB8];
	_ =	sdelay $0x3  }
0x37: {  	[smem:$0x3FB8] =	sst s10  }
0x38: {  	s10 =	sld [smem:$0x3FB9]  }
0x39: {  	_ = 	snop;
	(pc) =	sbr.ind lr, $3  }
0x3a: {  	_ = 	snop  }
0x3b: {  	_ = 	snop  }
0x3c: {  	p2 =	seq.s32 s10, $0x1;
	s10 =	sld [smem:$0x3FB8]  }
0x3d: {  	_ =	shalt  }
0x3e: {  	_ =	shalt  }
0x3f: {  	_ =	shalt  }
0x40: {  	_ =	shalt  }
0x41: {  	_ =	shalt  }
0x42: {  	_ =	shalt  }
0x43: {  	_ =	shalt  }
0x44: {  	_ =	shalt  }
0x45: {  	_ =	shalt  }
0x46: {  	_ =	shalt  }
0x47: {  	_ =	shalt  }
0x48: {  	_ =	shalt  }
0x49: {  	_ =	shalt  }
0x4a: {  	_ =	shalt  }
0x4b: {  	_ =	shalt  }
0x4c: {  	_ =	shalt  }
0x4d: {  	_ =	shalt  }
0x4e: {  	_ =	shalt  }
0x4f: {  	_ =	shalt  }
0x50: {  	_ =	shalt  }
0x51: {  	_ =	shalt  }
0x52: {  	_ =	shalt  }
0x53: {  	_ =	shalt  }
0x54: {  	_ =	shalt  }
0x55: {  	_ =	shalt  }
0x56: {  	_ =	shalt  }
0x57: {  	_ =	shalt  }
0x58: {  	_ =	shalt  }
0x59: {  	_ =	shalt  }
0x5a: {  	_ =	shalt  }
0x5b: {  	_ =	shalt  }
0x5c: {  	_ =	shalt  }
0x5d: {  	_ =	shalt  }
0x5e: {  	_ =	shalt  }
0x5f: {  	_ =	shalt  }
0x60: {  	_ =	shalt  }
0x61: {  	_ =	shalt  }
0x62: {  	_ =	shalt  }
0x63: {  	_ =	shalt  }
0x64: {  	_ =	shalt  }
0x65: {  	_ =	shalt  }
0x66: {  	_ =	shalt  }
0x67: {  	_ =	shalt  }
0x68: {  	_ =	shalt  }
0x69: {  	_ =	shalt  }
0x6a: {  	_ =	shalt  }
0x6b: {  	_ =	shalt  }
0x6c: {  	_ =	shalt  }
0x6d: {  	_ =	shalt  }
0x6e: {  	_ =	shalt  }
0x6f: {  	_ =	shalt  }
0x70: {  	_ =	shalt  }
0x71: {  	_ =	shalt  }
0x72: {  	_ =	shalt  }
0x73: {  	_ =	shalt  }
0x74: {  	_ =	shalt  }
0x75: {  	_ =	shalt  }
0x76: {  	_ =	shalt  }
0x77: {  	_ =	shalt  }
0x78: {  	_ =	shalt  }
0x79: {  	_ =	shalt  }
0x7a: {  	_ =	shalt  }
0x7b: {  	_ =	shalt  }
0x7c: {  	_ =	shalt  }
0x7d: {  	_ =	shalt  }
0x7e: {  	_ =	shalt  }
0x7f: {  	_ =	shalt  }
0x80: {  	_ =	shalt  }
0x81: {  	_ =	shalt  }
0x82: {  	_ =	shalt  }
0x83: {  	_ =	shalt  }
0x84: {  	_ =	shalt  }
0x85: {  	_ =	shalt  }
0x86: {  	_ =	shalt  }
0x87: {  	_ =	shalt  }
.Lfunc_end0:
.L_simem_size_0:
called_computation_lowered:
.L_overlay_start_0:
0x88: {  	s2 =	sld [smem:$0x3FD9]  }
0x89: {  	s3 =	sld [smem:$0x3FFE];
	_ =	sdelay $0x1  }
0x8a: {  	s1 =	srdreg.scid  }
0x8b: {  	s0 =	sand.u32 $0x1, s1  }
0x8c: {  	s17 =	sshll.u32 s0, $0xA;
	s2 =	sadd.s32 s3, s2  }
0x8d: {  	s2 =	sadd.s32 s2, s17  }
0x8e: {  	[smem:$0x3FC4] =	sst s2  }
0x8f: {  	_ = 	snop  }
0x90: {  	s2 =	sld [smem:$0x3FC9]  }
0x91: {  	s18 =	sld [smem:$0x3FD0];
	(tm) =	ssettm $0x1  }
0x92: {  	s4 =	sld [smem:$0x3FFB];
	_ =	sdelay $0x3  }
0x93: {  	_ =	strace s4  }
0x94: {  	s4 =	sld [smem:$0x3FFC];
	_ =	sdelay $0x3  }
0x95: {  	_ =	strace s4  }
0x96: {  	s4 =	sld [smem:$0x3FFD];
	_ =	sdelay $0x3  }
0x97: {  	_ =	strace s4  }
0x98: {  	_ =	strace $0x8FFFFFFF  }
0x99: {  	s19 =	sld [smem:$0x3FDB];
	_ =	sdelay $0x1  }
0x9a: {  	s5 =	simm.s32 $_scs_section_size  }
0x9b: {  	s6 =	simm.s32 $_size__tile_overlayer_lowered;
	s7 =	simm.s32 $_tile_overlayer_lowered  }
0x9c: {  	s22 =	simm.s32 $0x1BFF;
	s21 =	sshll.u32 s7, $0x1;
	s4 =	sadd.s32 s5, s19  }
0x9d: {  	s8 =	simm.s32 $0x0;
	s20 =	sshll.u32 s6, $0x1;
	s6 =	sadd.s32 s21, s4  }
0x9e: {  	[timem:s8], [sflag:s22] =	dma.local [hbm:s6], s20  }
0x9f: {  	_ =	swait.ge [sflag:s22], s20  }
0xa0: {  	s5 =	ssub.s32 $0x0, s20;
	[sflag:s22] =	ssyncset.done $0x0  }
0xa1: {  	[sflag:s22] =	ssyncadd.s32 s5;
	_ =	sdelay $0x1  }
0xa2: {  	s23 =	simm.s32 $0x1B8B  }
0xa3: {  	_ =	swait.ge [sflag:s23], $0x1  }
0xa4: {  	[sflag:s23] =	ssyncset.done $0x0  }
0xa5: {  	s25 =	simm.s32 $0x1B8E;
	s24 =	sld [smem:$0x3FFE];
	[sflag:s23] =	ssyncadd.s32 $0xFFFFFFFF  }
0xa6: {  	s26 =	simm.s32 $execute0_lowered;
	[smem:$0x3FD2] =	sst s25  }
0xa7: {  	s6 =	sshll.u32 s26, $0x1;
	_ =	strace $0x80000046;
	[dreg:$0x1] =	wrdreg $0xFFFFFFFF  }
0xa8: {  	s28 =	simm.s32 $_size_execute0_lowered;
	s4 =	sadd.s32 s4, s6;
	[dreg:$0x0] =	wrdreg $0x0  }
0xa9: {  	s6 =	sshll.u32 s28, $0x1;
	[dreg:$0x2] =	wrdreg s4  }
0xaa: {  	[dreg:$0x3] =	wrdreg s6  }
0xab: {  	[dreg:$0x4] =	wrdreg $0xC0  }
0xac: {  	_ =	task [dreg:s8], $0x5FFFF  }
0xad: {  	[dreg:$0x1] =	wrdreg $0xFFFFFFFF  }
0xae: {  	[dreg:$0x0] =	wrdreg $0x60  }
0xaf: {  	[dreg:$0x2] =	wrdreg s2  }
0xb0: {  	[dreg:$0x3] =	wrdreg s18  }
0xb1: {  	[dreg:$0x4] =	wrdreg s24  }
0xb2: {  	[dreg:$0x5] =	wrdreg $0x9  }
0xb3: {  	_ =	task.clear_ibuf [dreg:s8], $0x6FFFF;
	_ =	strace $0x90000046  }
0xb4: {  	s29 =	simm.s32 $0x9;
	_ =	strace $0x80000048  }
0xb5: {  	_ =	swait.ge [sflag:s29], $0x1  }
0xb6: {  	[sflag:s29] =	ssyncadd.s32 $0xFFFFFFFF  }
0xb7: {  	_ =	strace $0x90000048  }
0xb8: {  	_ =	sfence  }
0xb9: {  	s30 =	sld [smem:$0x0];
	_ =	sdelay $0x2  }
0xba: {  	s31 =	sshll.u32 s1, $0xD;
	s1 =	sshrl.u32 s1, $0x2  }
0xbb: {  	s3 =	sand.u32 $0x4000, s31;
	s1 =	sadd.s32 s1, s30  }
0xbc: {  	s0 =	sor.u32 s3, s0;
	s1 =	sshll.u32 s1, $0x11  }
0xbd: {  	s0 =	sor.u32 s1, s0  }
0xbe: {  	s0 =	sadd.s32 $0x8F2B, s0  }
0xbf: {  	[sflag:s0] =	ssyncadd.remote.s32 $0x1  }
0xc0: {  	_ =	sfence.sel $0xFFFF  }
0xc1: {  	[dreg:$0x0] =	wrdreg $0xFFFFFFFF;
	(pc) =	sbr.abs _section_cstart, $3  }
0xc2: {  	[dreg:$0x1] =	wrdreg $0xFFFFFFFF  }
0xc3: {  	_ =	task.clear_ibuf [dreg:s8], $0x2FFFF;
	_ =	strace $0x9FFFFFFF  }
0xc4: {  	(tm) =	ssettm $0x7FFFFFFF  }
0xc5: {  	_ =	shalt  }
tec
execute0_lowered:
.L_overlay_start_1:
0x0: {  	(tag) =	ssettag $0x1  }
0x1: {  	s5 =	rddreg [dreg:$0x0]  }
0x2: {  	s2 =	rddreg [dreg:$0x1]  }
0x3: {  	s1 =	srdreg.scid;
	s6 =	rddreg [dreg:$0x2]  }
0x4: {  	s3 =	simm.s32 $0x0;
	s4 =	sand.u32 $0x1, s1;
	s1 =	rddreg [dreg:$0x3]  }
0x5: {  	s24 =	simm.s32 $0x100;
	[smem:$0x7FF] =	sst s3  }
0x6: {  	s25 =	simm.s32 $0x180;
	_ =	strace $0x80000047;
	[dreg:$0x6] =	wrdreg s24  }
0x7: {  	s26 =	simm.s32 $0x200;
	[dreg:$0x7] =	wrdreg s25  }
0x8: {  	s28 =	simm.s32 $0x280;
	[dreg:$0x8] =	wrdreg s26  }
0x9: {  	s29 =	simm.s32 $0x300;
	[dreg:$0x9] =	wrdreg s28  }
0xa: {  	s30 =	simm.s32 $0x380;
	[dreg:$0xa] =	wrdreg s29  }
0xb: {  	s31 =	simm.s32 $0x400;
	[dreg:$0xb] =	wrdreg s30  }
0xc: {  	s9 =	simm.s32 $0x600;
	[dreg:$0xc] =	wrdreg s31  }
0xd: {  	s10 =	simm.s32 $0x680;
	[dreg:$0x10] =	wrdreg s9  }
0xe: {  	s11 =	simm.s32 $0x700;
	[dreg:$0x11] =	wrdreg s10  }
0xf: {  	s12 =	simm.s32 $0x780;
	[dreg:$0x12] =	wrdreg s11  }
0x10: {  	s13 =	simm.s32 $0x800;
	[dreg:$0x13] =	wrdreg s12  }
0x11: {  	s14 =	simm.s32 $0x880;
	[dreg:$0x14] =	wrdreg s13  }
0x12: {  	s15 =	simm.s32 $0x900;
	[dreg:$0x15] =	wrdreg s14  }
0x13: {  	s16 =	simm.s32 $0x980;
	[dreg:$0x16] =	wrdreg s15  }
0x14: {  	s17 =	simm.s32 $0xA00;
	[dreg:$0x17] =	wrdreg s16  }
0x15: {  	s18 =	simm.s32 $0xA80;
	[dreg:$0x18] =	wrdreg s17  }
0x16: {  	s19 =	simm.s32 $0xB00;
	[dreg:$0x19] =	wrdreg s18  }
0x17: {  	s20 =	simm.s32 $0xB80;
	[dreg:$0x1a] =	wrdreg s19  }
0x18: {  	s21 =	simm.s32 $0xC00;
	[dreg:$0x1b] =	wrdreg s20  }
0x19: {  	s22 =	simm.s32 $0xC80;
	[dreg:$0x1c] =	wrdreg s21  }
0x1a: {  	s0 =	stileid.u32;
	[dreg:$0x1d] =	wrdreg s22;
	s24 =	simm.s32 $0xD80  }
0x1b: {  	s7 =	sshll.u32 s0, $0x6;
	s25 =	simm.s32 $0xE00;
	[dreg:$0x1f] =	wrdreg s24  }
0x1c: {  	s8 =	sshll.u32 s4, $0x5;
	s28 =	simm.s32 $0xE80;
	[smem:$0x7F9] =	sst s25  }
0x1d: {  	s29 =	simm.s32 $0xF00;
	s30 =	simm.s32 $0xF80;
	[smem:$0x7FA] =	sst s28  }
0x1e: {  	s31 =	simm.s32 $0x1000;
	s7 =	sor.u32 s8, s7;
	[smem:$0x7FB] =	sst s29  }
0x1f: {  	[smem:$0x7FC] =	sst s30;
	s8 =	sshll.u32 s7, $0x4;
	s7 =	sshrl.u32 s7, $0x3  }
0x20: {  	s4 =	ssub.s32 $0x2, s4;
	[smem:$0x7FD] =	sst s31;
	s5 =	sadd.s32 s5, s7  }
0x21: {  	vm0 =	vmmov $0x1;
	s26 =	sshrl.u32 s4, $0x1;
	s7 =	simm.s32 $0x500;
	[dreg:$0x4] =	wrdreg s5  }
0x22: {  	vm1 =	vcmask $0x308;
	vm2 =	vcmask $0x70C;
	vm3 =	vcmask $0xB10;
	s6 =	sadd.s32 s8, s6;
	s8 =	simm.s32 $0x580;
	[dreg:$0xe] =	wrdreg s7  }
0x23: {  	vm4 =	vcmask $0xF14;
	vm5 =	vcmask $0x1318;
	vm6 =	vcmask $0x171C;
	s4 =	ssub.s32 s4, s26;
	s23 =	sadd.s32 $0x800, s6;
	[dreg:$0xf] =	wrdreg s8  }
0x24: {  	vm7 =	vcmask $0x1B20;
	vm8 =	vcmask $0x1F24;
	vm9 =	vcmask $0x2328;
	s4 =	smax.u32 s4, $0x1;
	s6 =	simm.s32 $0x480;
	[dreg:$0x5] =	wrdreg s23  }
0x25: {  	vm10 =	vcmask $0x272C;
	vm11 =	vcmask $0x2B30;
	vm12 =	vcmask $0x2F34;
	s5 =	simm.s32 $0x2;
	[dreg:$0xd] =	wrdreg s6;
	s23 =	simm.s32 $0xD00  }
0x26: {  	vm13 =	vcmask $0x3338;
	vm14 =	vcmask $0x373C;
	vm15 =	vmmov $0x7fff;
	s7 =	simm.s32 $0x1;
	s6 =	simm.s32 $0x80;
	[dreg:$0x1e] =	wrdreg s23  }
.LBB2_1:
0x27: {  	s8 =	rddreg [dreg:$0x4]  }
0x28: {  	[tilespmem:s3], [sflag:$0x2] =	stream.linear.gather [hbm4b:s8+s3], $0x20, $0x38;
	[tilespmem:$0x1080] =	vst v63  }
0x29: {  	_ =	swait.ge [sflag:s5], $0x20  }
0x2a: {  	[sflag:s5] =	ssyncset.done $0x0  }
0x2b: {  	[sflag:s5] =	ssyncadd.s32 $0xFFFFFFE0  }
0x2c: {  	v0 =	vld [tilespmem:$0x0];
	_ =	sdelay $0x4  }
0x2d: {  	v0 =	vnsel vm0, $0x0, v0  }
0x2e: {  	(xrf0) =	vadd.scan.msk.s32 $0xffff, v0;
	_ =	sdelay $0x5  }
0x2f: {  	v0, _, _ =	vpop (xrf0)  }
0x30: {  	(v2sf) =	vpush v0, $0xF;
	_ =	sdelay $0xe  }
0x31: {  	s11 =	spop (v2sf)  }
0x32: {  	s8 =	sshll.u32 s11, $0x4  }
0x33: {  	s8 =	sand.u32 $0x1FFFFFF0, s8  }
0x34: {  	s8 =	sadd.s32 s2, s8  }
0x35: {  	[tilespmem:s6], [sflag:$0x1] =	stream.linear.gather [hbm4b:s8+s3], $0x80, $0x38;
	[tilespmem:$0x1080] =	vst v63  }
0x36: {  	v33 =	vld [tilespmem:$0x0];
	_ =	sdelay $0x4  }
0x37: {  	v0 =	vsel vm1, $0x0, v33  }
0x38: {  	(xrf0) =	vadd.scan.msk.s32 $0xffff, v0;
	_ =	sdelay $0x5  }
0x39: {  	v0, _, _ =	vpop (xrf0)  }
0x3a: {  	(v2sf) =	vpush v0, $0xF;
	_ =	sdelay $0xe  }
0x3b: {  	s12 =	spop (v2sf)  }
0x3c: {  	s8 =	sshll.u32 s12, $0x4  }
0x3d: {  	s8 =	sand.u32 $0x1FFFFFF0, s8  }
0x3e: {  	s9 =	rddreg [dreg:$0x6];
	s8 =	sadd.s32 s2, s8  }
0x3f: {  	[tilespmem:s9], [sflag:$0x1] =	stream.linear.gather [hbm4b:s8+s3], $0x80, $0x38;
	[tilespmem:$0x1080] =	vst v63  }
0x40: {  	v34 =	vld [tilespmem:$0x0];
	_ =	sdelay $0x4  }
0x41: {  	v0 =	vsel vm2, $0x0, v34  }
0x42: {  	(xrf0) =	vadd.scan.msk.s32 $0xffff, v0;
	_ =	sdelay $0x5  }
0x43: {  	v0, _, _ =	vpop (xrf0)  }
0x44: {  	(v2sf) =	vpush v0, $0xF;
	_ =	sdelay $0xe  }
0x45: {  	s13 =	spop (v2sf)  }
0x46: {  	s8 =	sshll.u32 s13, $0x4  }
0x47: {  	s8 =	sand.u32 $0x1FFFFFF0, s8  }
0x48: {  	s14 =	rddreg [dreg:$0x7];
	s8 =	sadd.s32 s2, s8  }
0x49: {  	[tilespmem:s14], [sflag:$0x1] =	stream.linear.gather [hbm4b:s8+s3], $0x80, $0x38;
	[tilespmem:$0x1080] =	vst v63  }
0x4a: {  	v35 =	vld [tilespmem:$0x0];
	_ =	sdelay $0x4  }
0x4b: {  	v0 =	vsel vm3, $0x0, v35  }
0x4c: {  	(xrf0) =	vadd.scan.msk.s32 $0xffff, v0;
	_ =	sdelay $0x5  }
0x4d: {  	v0, _, _ =	vpop (xrf0)  }
0x4e: {  	(v2sf) =	vpush v0, $0xF;
	_ =	sdelay $0xe  }
0x4f: {  	s15 =	spop (v2sf)  }
0x50: {  	s8 =	sshll.u32 s15, $0x4  }
0x51: {  	s8 =	sand.u32 $0x1FFFFFF0, s8  }
0x52: {  	s16 =	rddreg [dreg:$0x8];
	s8 =	sadd.s32 s2, s8  }
0x53: {  	[tilespmem:s16], [sflag:$0x1] =	stream.linear.gather [hbm4b:s8+s3], $0x80, $0x38;
	[tilespmem:$0x1080] =	vst v63  }
0x54: {  	v36 =	vld [tilespmem:$0x0];
	_ =	sdelay $0x4  }
0x55: {  	v0 =	vsel vm4, $0x0, v36  }
0x56: {  	(xrf0) =	vadd.scan.msk.s32 $0xffff, v0;
	_ =	sdelay $0x5  }
0x57: {  	v0, _, _ =	vpop (xrf0)  }
0x58: {  	(v2sf) =	vpush v0, $0xF;
	_ =	sdelay $0xe  }
0x59: {  	s17 =	spop (v2sf)  }
0x5a: {  	s8 =	sshll.u32 s17, $0x4  }
0x5b: {  	s8 =	sand.u32 $0x1FFFFFF0, s8  }
0x5c: {  	s18 =	rddreg [dreg:$0x9];
	s8 =	sadd.s32 s2, s8  }
0x5d: {  	[tilespmem:s18], [sflag:$0x1] =	stream.linear.gather [hbm4b:s8+s3], $0x80, $0x38;
	[tilespmem:$0x1080] =	vst v63  }
0x5e: {  	v37 =	vld [tilespmem:$0x0];
	_ =	sdelay $0x4  }
0x5f: {  	v0 =	vsel vm5, $0x0, v37  }
0x60: {  	(xrf0) =	vadd.scan.msk.s32 $0xffff, v0;
	_ =	sdelay $0x5  }
0x61: {  	v0, _, _ =	vpop (xrf0)  }
0x62: {  	(v2sf) =	vpush v0, $0xF;
	_ =	sdelay $0xe  }
0x63: {  	s19 =	spop (v2sf)  }
0x64: {  	s8 =	sshll.u32 s19, $0x4  }
0x65: {  	s8 =	sand.u32 $0x1FFFFFF0, s8  }
0x66: {  	s20 =	rddreg [dreg:$0xa];
	s8 =	sadd.s32 s2, s8  }
0x67: {  	[tilespmem:s20], [sflag:$0x1] =	stream.linear.gather [hbm4b:s8+s3], $0x80, $0x38;
	[tilespmem:$0x1080] =	vst v63  }
0x68: {  	v38 =	vld [tilespmem:$0x0];
	_ =	sdelay $0x4  }
0x69: {  	v0 =	vsel vm6, $0x0, v38  }
0x6a: {  	(xrf0) =	vadd.scan.msk.s32 $0xffff, v0;
	_ =	sdelay $0x5  }
0x6b: {  	v0, _, _ =	vpop (xrf0)  }
0x6c: {  	(v2sf) =	vpush v0, $0xF;
	_ =	sdelay $0xe  }
0x6d: {  	s21 =	spop (v2sf)  }
0x6e: {  	s8 =	sshll.u32 s21, $0x4  }
0x6f: {  	s8 =	sand.u32 $0x1FFFFFF0, s8  }
0x70: {  	s22 =	rddreg [dreg:$0xb];
	s8 =	sadd.s32 s2, s8  }
0x71: {  	[tilespmem:s22], [sflag:$0x1] =	stream.linear.gather [hbm4b:s8+s3], $0x80, $0x38;
	[tilespmem:$0x1080] =	vst v63  }
0x72: {  	v39 =	vld [tilespmem:$0x0];
	_ =	sdelay $0x4  }
0x73: {  	v0 =	vsel vm7, $0x0, v39  }
0x74: {  	(xrf0) =	vadd.scan.msk.s32 $0xffff, v0;
	_ =	sdelay $0x5  }
0x75: {  	v0, _, _ =	vpop (xrf0)  }
0x76: {  	(v2sf) =	vpush v0, $0xF;
	_ =	sdelay $0xe  }
0x77: {  	s23 =	spop (v2sf)  }
0x78: {  	s8 =	sshll.u32 s23, $0x4  }
0x79: {  	s8 =	sand.u32 $0x1FFFFFF0, s8  }
0x7a: {  	s24 =	rddreg [dreg:$0xc];
	s8 =	sadd.s32 s2, s8  }
0x7b: {  	[tilespmem:s24], [sflag:$0x1] =	stream.linear.gather [hbm4b:s8+s3], $0x80, $0x38;
	[tilespmem:$0x1080] =	vst v63  }
0x7c: {  	v40 =	vld [tilespmem:$0x0];
	_ =	sdelay $0x4  }
0x7d: {  	v0 =	vsel vm8, $0x0, v40  }
0x7e: {  	(xrf0) =	vadd.scan.msk.s32 $0xffff, v0;
	_ =	sdelay $0x5  }
0x7f: {  	v0, _, _ =	vpop (xrf0)  }
0x80: {  	(v2sf) =	vpush v0, $0xF;
	_ =	sdelay $0xe  }
0x81: {  	s25 =	spop (v2sf)  }
0x82: {  	s8 =	sshll.u32 s25, $0x4  }
0x83: {  	s8 =	sand.u32 $0x1FFFFFF0, s8  }
0x84: {  	s26 =	rddreg [dreg:$0xd];
	s8 =	sadd.s32 s2, s8  }
0x85: {  	[tilespmem:s26], [sflag:$0x1] =	stream.linear.gather [hbm4b:s8+s3], $0x80, $0x38;
	[tilespmem:$0x1080] =	vst v63  }
0x86: {  	v41 =	vld [tilespmem:$0x0];
	_ =	sdelay $0x4  }
0x87: {  	v0 =	vsel vm9, $0x0, v41  }
0x88: {  	(xrf0) =	vadd.scan.msk.s32 $0xffff, v0;
	_ =	sdelay $0x5  }
0x89: {  	v0, _, _ =	vpop (xrf0)  }
0x8a: {  	(v2sf) =	vpush v0, $0xF;
	_ =	sdelay $0xe  }
0x8b: {  	s28 =	spop (v2sf)  }
0x8c: {  	s8 =	sshll.u32 s28, $0x4  }
0x8d: {  	s8 =	sand.u32 $0x1FFFFFF0, s8  }
0x8e: {  	s29 =	rddreg [dreg:$0xe];
	s8 =	sadd.s32 s2, s8  }
0x8f: {  	[tilespmem:s29], [sflag:$0x1] =	stream.linear.gather [hbm4b:s8+s3], $0x80, $0x38;
	[tilespmem:$0x1080] =	vst v63  }
0x90: {  	v42 =	vld [tilespmem:$0x0];
	_ =	sdelay $0x4  }
0x91: {  	v0 =	vsel vm10, $0x0, v42  }
0x92: {  	(xrf0) =	vadd.scan.msk.s32 $0xffff, v0;
	_ =	sdelay $0x5  }
0x93: {  	v0, _, _ =	vpop (xrf0)  }
0x94: {  	(v2sf) =	vpush v0, $0xF;
	_ =	sdelay $0xe  }
0x95: {  	s30 =	spop (v2sf)  }
0x96: {  	s8 =	sshll.u32 s30, $0x4  }
0x97: {  	s8 =	sand.u32 $0x1FFFFFF0, s8  }
0x98: {  	s31 =	rddreg [dreg:$0xf];
	s8 =	sadd.s32 s2, s8  }
0x99: {  	[tilespmem:s31], [sflag:$0x1] =	stream.linear.gather [hbm4b:s8+s3], $0x80, $0x38;
	[tilespmem:$0x1080] =	vst v63  }
0x9a: {  	v43 =	vld [tilespmem:$0x0];
	_ =	sdelay $0x4  }
0x9b: {  	v0 =	vsel vm11, $0x0, v43  }
0x9c: {  	(xrf0) =	vadd.scan.msk.s32 $0xffff, v0;
	_ =	sdelay $0x5  }
0x9d: {  	v0, _, _ =	vpop (xrf0)  }
0x9e: {  	(v2sf) =	vpush v0, $0xF;
	_ =	sdelay $0xe  }
0x9f: {  	s9 =	spop (v2sf)  }
0xa0: {  	s8 =	sshll.u32 s9, $0x4  }
0xa1: {  	s8 =	sand.u32 $0x1FFFFFF0, s8  }
0xa2: {  	s10 =	rddreg [dreg:$0x10];
	s8 =	sadd.s32 s2, s8  }
0xa3: {  	[tilespmem:s10], [sflag:$0x1] =	stream.linear.gather [hbm4b:s8+s3], $0x80, $0x38;
	[tilespmem:$0x1080] =	vst v63  }
0xa4: {  	v44 =	vld [tilespmem:$0x0];
	_ =	sdelay $0x4  }
0xa5: {  	v0 =	vsel vm12, $0x0, v44  }
0xa6: {  	(xrf0) =	vadd.scan.msk.s32 $0xffff, v0;
	_ =	sdelay $0x5  }
0xa7: {  	v0, _, _ =	vpop (xrf0)  }
0xa8: {  	(v2sf) =	vpush v0, $0xF;
	_ =	sdelay $0xe  }
0xa9: {  	s11 =	spop (v2sf)  }
0xaa: {  	s8 =	sshll.u32 s11, $0x4  }
0xab: {  	s8 =	sand.u32 $0x1FFFFFF0, s8  }
0xac: {  	s12 =	rddreg [dreg:$0x11];
	s8 =	sadd.s32 s2, s8  }
0xad: {  	[tilespmem:s12], [sflag:$0x1] =	stream.linear.gather [hbm4b:s8+s3], $0x80, $0x38;
	[tilespmem:$0x1080] =	vst v63  }
0xae: {  	v45 =	vld [tilespmem:$0x0];
	_ =	sdelay $0x4  }
0xaf: {  	v0 =	vsel vm13, $0x0, v45  }
0xb0: {  	(xrf0) =	vadd.scan.msk.s32 $0xffff, v0;
	_ =	sdelay $0x5  }
0xb1: {  	v0, _, _ =	vpop (xrf0)  }
0xb2: {  	(v2sf) =	vpush v0, $0xF;
	_ =	sdelay $0xe  }
0xb3: {  	s13 =	spop (v2sf)  }
0xb4: {  	s8 =	sshll.u32 s13, $0x4  }
0xb5: {  	s8 =	sand.u32 $0x1FFFFFF0, s8  }
0xb6: {  	s14 =	rddreg [dreg:$0x12];
	s8 =	sadd.s32 s2, s8  }
0xb7: {  	[tilespmem:s14], [sflag:$0x1] =	stream.linear.gather [hbm4b:s8+s3], $0x80, $0x38;
	[tilespmem:$0x1080] =	vst v63  }
0xb8: {  	v46 =	vld [tilespmem:$0x0];
	_ =	sdelay $0x4  }
0xb9: {  	v0 =	vsel vm14, $0x0, v46  }
0xba: {  	(xrf0) =	vadd.scan.msk.s32 $0xffff, v0;
	_ =	sdelay $0x5  }
0xbb: {  	v0, _, _ =	vpop (xrf0)  }
0xbc: {  	(v2sf) =	vpush v0, $0xF;
	_ =	sdelay $0xe  }
0xbd: {  	s15 =	spop (v2sf)  }
0xbe: {  	s8 =	sshll.u32 s15, $0x4  }
0xbf: {  	s8 =	sand.u32 $0x1FFFFFF0, s8  }
0xc0: {  	s16 =	rddreg [dreg:$0x13];
	s8 =	sadd.s32 s2, s8  }
0xc1: {  	[tilespmem:s16], [sflag:$0x1] =	stream.linear.gather [hbm4b:s8+s3], $0x80, $0x38;
	[tilespmem:$0x1080] =	vst v63  }
0xc2: {  	v47 =	vld [tilespmem:$0x0];
	_ =	sdelay $0x4  }
0xc3: {  	v0 =	vsel vm15, $0x0, v47  }
0xc4: {  	(xrf0) =	vadd.scan.msk.s32 $0xffff, v0;
	_ =	sdelay $0x5  }
0xc5: {  	v0, _, _ =	vpop (xrf0)  }
0xc6: {  	(v2sf) =	vpush v0, $0xF;
	_ =	sdelay $0xe  }
0xc7: {  	s17 =	spop (v2sf)  }
0xc8: {  	s8 =	sshll.u32 s17, $0x4  }
0xc9: {  	s8 =	sand.u32 $0x1FFFFFF0, s8  }
0xca: {  	s18 =	rddreg [dreg:$0x14];
	s8 =	sadd.s32 s2, s8  }
0xcb: {  	[tilespmem:s18], [sflag:$0x1] =	stream.linear.gather [hbm4b:s8+s3], $0x80, $0x38;
	[tilespmem:$0x1080] =	vst v63  }
0xcc: {  	v48 =	vld [tilespmem:$0x10];
	_ =	sdelay $0x4  }
0xcd: {  	v0 =	vnsel vm0, $0x0, v48  }
0xce: {  	(xrf0) =	vadd.scan.msk.s32 $0xffff, v0;
	_ =	sdelay $0x5  }
0xcf: {  	v0, _, _ =	vpop (xrf0)  }
0xd0: {  	(v2sf) =	vpush v0, $0xF;
	_ =	sdelay $0xe  }
0xd1: {  	s19 =	spop (v2sf)  }
0xd2: {  	s8 =	sshll.u32 s19, $0x4  }
0xd3: {  	s8 =	sand.u32 $0x1FFFFFF0, s8  }
0xd4: {  	s20 =	rddreg [dreg:$0x15];
	s8 =	sadd.s32 s2, s8  }
0xd5: {  	[tilespmem:s20], [sflag:$0x1] =	stream.linear.gather [hbm4b:s8+s3], $0x80, $0x38;
	[tilespmem:$0x1080] =	vst v63  }
0xd6: {  	v49 =	vld [tilespmem:$0x10];
	_ =	sdelay $0x4  }
0xd7: {  	v0 =	vsel vm1, $0x0, v49  }
0xd8: {  	(xrf0) =	vadd.scan.msk.s32 $0xffff, v0;
	_ =	sdelay $0x5  }
0xd9: {  	v0, _, _ =	vpop (xrf0)  }
0xda: {  	(v2sf) =	vpush v0, $0xF;
	_ =	sdelay $0xe  }
0xdb: {  	s21 =	spop (v2sf)  }
0xdc: {  	s8 =	sshll.u32 s21, $0x4  }
0xdd: {  	s8 =	sand.u32 $0x1FFFFFF0, s8  }
0xde: {  	s22 =	rddreg [dreg:$0x16];
	s8 =	sadd.s32 s2, s8  }
0xdf: {  	[tilespmem:s22], [sflag:$0x1] =	stream.linear.gather [hbm4b:s8+s3], $0x80, $0x38;
	[tilespmem:$0x1080] =	vst v63  }
0xe0: {  	v50 =	vld [tilespmem:$0x10];
	_ =	sdelay $0x4  }
0xe1: {  	v0 =	vsel vm2, $0x0, v50  }
0xe2: {  	(xrf0) =	vadd.scan.msk.s32 $0xffff, v0;
	_ =	sdelay $0x5  }
0xe3: {  	v0, _, _ =	vpop (xrf0)  }
0xe4: {  	(v2sf) =	vpush v0, $0xF;
	_ =	sdelay $0xe  }
0xe5: {  	s23 =	spop (v2sf)  }
0xe6: {  	s8 =	sshll.u32 s23, $0x4  }
0xe7: {  	s8 =	sand.u32 $0x1FFFFFF0, s8  }
0xe8: {  	s24 =	rddreg [dreg:$0x17];
	s8 =	sadd.s32 s2, s8  }
0xe9: {  	[tilespmem:s24], [sflag:$0x1] =	stream.linear.gather [hbm4b:s8+s3], $0x80, $0x38;
	[tilespmem:$0x1080] =	vst v63  }
0xea: {  	v51 =	vld [tilespmem:$0x10];
	_ =	sdelay $0x4  }
0xeb: {  	v0 =	vsel vm3, $0x0, v51  }
0xec: {  	(xrf0) =	vadd.scan.msk.s32 $0xffff, v0;
	_ =	sdelay $0x5  }
0xed: {  	v0, _, _ =	vpop (xrf0)  }
0xee: {  	(v2sf) =	vpush v0, $0xF;
	_ =	sdelay $0xe  }
0xef: {  	s25 =	spop (v2sf)  }
0xf0: {  	s8 =	sshll.u32 s25, $0x4  }
0xf1: {  	s8 =	sand.u32 $0x1FFFFFF0, s8  }
0xf2: {  	s26 =	rddreg [dreg:$0x18];
	s8 =	sadd.s32 s2, s8  }
0xf3: {  	[tilespmem:s26], [sflag:$0x1] =	stream.linear.gather [hbm4b:s8+s3], $0x80, $0x38;
	[tilespmem:$0x1080] =	vst v63  }
0xf4: {  	v52 =	vld [tilespmem:$0x10];
	_ =	sdelay $0x4  }
0xf5: {  	v0 =	vsel vm4, $0x0, v52  }
0xf6: {  	(xrf0) =	vadd.scan.msk.s32 $0xffff, v0;
	_ =	sdelay $0x5  }
0xf7: {  	v0, _, _ =	vpop (xrf0)  }
0xf8: {  	(v2sf) =	vpush v0, $0xF;
	_ =	sdelay $0xe  }
0xf9: {  	s28 =	spop (v2sf)  }
0xfa: {  	s8 =	sshll.u32 s28, $0x4  }
0xfb: {  	s8 =	sand.u32 $0x1FFFFFF0, s8  }
0xfc: {  	s29 =	rddreg [dreg:$0x19];
	s8 =	sadd.s32 s2, s8  }
0xfd: {  	[tilespmem:s29], [sflag:$0x1] =	stream.linear.gather [hbm4b:s8+s3], $0x80, $0x38;
	[tilespmem:$0x1080] =	vst v63  }
0xfe: {  	v53 =	vld [tilespmem:$0x10];
	_ =	sdelay $0x4  }
0xff: {  	v0 =	vsel vm5, $0x0, v53  }
0x100: {  	(xrf0) =	vadd.scan.msk.s32 $0xffff, v0;
	_ =	sdelay $0x5  }
0x101: {  	v0, _, _ =	vpop (xrf0)  }
0x102: {  	(v2sf) =	vpush v0, $0xF;
	_ =	sdelay $0xe  }
0x103: {  	s30 =	spop (v2sf)  }
0x104: {  	s8 =	sshll.u32 s30, $0x4  }
0x105: {  	s8 =	sand.u32 $0x1FFFFFF0, s8  }
0x106: {  	s31 =	rddreg [dreg:$0x1a];
	s8 =	sadd.s32 s2, s8  }
0x107: {  	[tilespmem:s31], [sflag:$0x1] =	stream.linear.gather [hbm4b:s8+s3], $0x80, $0x38;
	[tilespmem:$0x1080] =	vst v63  }
0x108: {  	v54 =	vld [tilespmem:$0x10];
	_ =	sdelay $0x4  }
0x109: {  	v0 =	vsel vm6, $0x0, v54  }
0x10a: {  	(xrf0) =	vadd.scan.msk.s32 $0xffff, v0;
	_ =	sdelay $0x5  }
0x10b: {  	v0, _, _ =	vpop (xrf0)  }
0x10c: {  	(v2sf) =	vpush v0, $0xF;
	_ =	sdelay $0xe  }
0x10d: {  	s10 =	spop (v2sf)  }
0x10e: {  	s8 =	sshll.u32 s10, $0x4  }
0x10f: {  	s8 =	sand.u32 $0x1FFFFFF0, s8  }
0x110: {  	s11 =	rddreg [dreg:$0x1b];
	s8 =	sadd.s32 s2, s8  }
0x111: {  	[tilespmem:s11], [sflag:$0x1] =	stream.linear.gather [hbm4b:s8+s3], $0x80, $0x38;
	[tilespmem:$0x1080] =	vst v63  }
0x112: {  	v55 =	vld [tilespmem:$0x10];
	_ =	sdelay $0x4  }
0x113: {  	v0 =	vsel vm7, $0x0, v55  }
0x114: {  	(xrf0) =	vadd.scan.msk.s32 $0xffff, v0;
	_ =	sdelay $0x5  }
0x115: {  	v0, _, _ =	vpop (xrf0)  }
0x116: {  	(v2sf) =	vpush v0, $0xF;
	_ =	sdelay $0xe  }
0x117: {  	s12 =	spop (v2sf)  }
0x118: {  	s8 =	sshll.u32 s12, $0x4  }
0x119: {  	s8 =	sand.u32 $0x1FFFFFF0, s8  }
0x11a: {  	s13 =	rddreg [dreg:$0x1c];
	s8 =	sadd.s32 s2, s8  }
0x11b: {  	[tilespmem:s13], [sflag:$0x1] =	stream.linear.gather [hbm4b:s8+s3], $0x80, $0x38;
	[tilespmem:$0x1080] =	vst v63  }
0x11c: {  	v56 =	vld [tilespmem:$0x10];
	_ =	sdelay $0x4  }
0x11d: {  	v0 =	vsel vm8, $0x0, v56  }
0x11e: {  	(xrf0) =	vadd.scan.msk.s32 $0xffff, v0;
	_ =	sdelay $0x5  }
0x11f: {  	v0, _, _ =	vpop (xrf0)  }
0x120: {  	(v2sf) =	vpush v0, $0xF;
	_ =	sdelay $0xe  }
0x121: {  	s14 =	spop (v2sf)  }
0x122: {  	s8 =	sshll.u32 s14, $0x4  }
0x123: {  	s8 =	sand.u32 $0x1FFFFFF0, s8  }
0x124: {  	s15 =	rddreg [dreg:$0x1d];
	s8 =	sadd.s32 s2, s8  }
0x125: {  	[tilespmem:s15], [sflag:$0x1] =	stream.linear.gather [hbm4b:s8+s3], $0x80, $0x38;
	[tilespmem:$0x1080] =	vst v63  }
0x126: {  	v57 =	vld [tilespmem:$0x10];
	_ =	sdelay $0x4  }
0x127: {  	v0 =	vsel vm9, $0x0, v57  }
0x128: {  	(xrf0) =	vadd.scan.msk.s32 $0xffff, v0;
	_ =	sdelay $0x5  }
0x129: {  	v0, _, _ =	vpop (xrf0)  }
0x12a: {  	(v2sf) =	vpush v0, $0xF;
	_ =	sdelay $0xe  }
0x12b: {  	s16 =	spop (v2sf)  }
0x12c: {  	s8 =	sshll.u32 s16, $0x4  }
0x12d: {  	s8 =	sand.u32 $0x1FFFFFF0, s8  }
0x12e: {  	s17 =	rddreg [dreg:$0x1e];
	s8 =	sadd.s32 s2, s8  }
0x12f: {  	[tilespmem:s17], [sflag:$0x1] =	stream.linear.gather [hbm4b:s8+s3], $0x80, $0x38;
	[tilespmem:$0x1080] =	vst v63  }
0x130: {  	v58 =	vld [tilespmem:$0x10];
	_ =	sdelay $0x4  }
0x131: {  	v0 =	vsel vm10, $0x0, v58  }
0x132: {  	(xrf0) =	vadd.scan.msk.s32 $0xffff, v0;
	_ =	sdelay $0x5  }
0x133: {  	v0, _, _ =	vpop (xrf0)  }
0x134: {  	(v2sf) =	vpush v0, $0xF;
	_ =	sdelay $0xe  }
0x135: {  	s18 =	spop (v2sf)  }
0x136: {  	s8 =	sshll.u32 s18, $0x4  }
0x137: {  	s8 =	sand.u32 $0x1FFFFFF0, s8  }
0x138: {  	s19 =	rddreg [dreg:$0x1f];
	s8 =	sadd.s32 s2, s8  }
0x139: {  	[tilespmem:s19], [sflag:$0x1] =	stream.linear.gather [hbm4b:s8+s3], $0x80, $0x38;
	[tilespmem:$0x1080] =	vst v63  }
0x13a: {  	v59 =	vld [tilespmem:$0x10];
	_ =	sdelay $0x4  }
0x13b: {  	v0 =	vsel vm11, $0x0, v59  }
0x13c: {  	(xrf0) =	vadd.scan.msk.s32 $0xffff, v0;
	_ =	sdelay $0x5  }
0x13d: {  	v0, _, _ =	vpop (xrf0)  }
0x13e: {  	(v2sf) =	vpush v0, $0xF;
	_ =	sdelay $0xe  }
0x13f: {  	s20 =	spop (v2sf)  }
0x140: {  	s21 =	sld [smem:$0x7F9];
	s8 =	sshll.u32 s20, $0x4  }
0x141: {  	s8 =	sand.u32 $0x1FFFFFF0, s8  }
0x142: {  	s8 =	sadd.s32 s2, s8  }
0x143: {  	[tilespmem:s21], [sflag:$0x1] =	stream.linear.gather [hbm4b:s8+s3], $0x80, $0x38;
	[tilespmem:$0x1080] =	vst v63  }
0x144: {  	v60 =	vld [tilespmem:$0x10];
	_ =	sdelay $0x4  }
0x145: {  	v0 =	vsel vm12, $0x0, v60  }
0x146: {  	(xrf0) =	vadd.scan.msk.s32 $0xffff, v0;
	_ =	sdelay $0x5  }
0x147: {  	v0, _, _ =	vpop (xrf0)  }
0x148: {  	(v2sf) =	vpush v0, $0xF;
	_ =	sdelay $0xe  }
0x149: {  	s22 =	spop (v2sf)  }
0x14a: {  	s23 =	sld [smem:$0x7FA];
	s8 =	sshll.u32 s22, $0x4  }
0x14b: {  	s8 =	sand.u32 $0x1FFFFFF0, s8  }
0x14c: {  	s8 =	sadd.s32 s2, s8  }
0x14d: {  	[tilespmem:s23], [sflag:$0x1] =	stream.linear.gather [hbm4b:s8+s3], $0x80, $0x38;
	[tilespmem:$0x1080] =	vst v63  }
0x14e: {  	v61 =	vld [tilespmem:$0x10];
	_ =	sdelay $0x4  }
0x14f: {  	v0 =	vsel vm13, $0x0, v61  }
0x150: {  	(xrf0) =	vadd.scan.msk.s32 $0xffff, v0;
	_ =	sdelay $0x5  }
0x151: {  	v0, _, _ =	vpop (xrf0)  }
0x152: {  	(v2sf) =	vpush v0, $0xF;
	_ =	sdelay $0xe  }
0x153: {  	s24 =	spop (v2sf)  }
0x154: {  	s25 =	sld [smem:$0x7FB];
	s8 =	sshll.u32 s24, $0x4  }
0x155: {  	s8 =	sand.u32 $0x1FFFFFF0, s8  }
0x156: {  	s8 =	sadd.s32 s2, s8  }
0x157: {  	[tilespmem:s25], [sflag:$0x1] =	stream.linear.gather [hbm4b:s8+s3], $0x80, $0x38;
	[tilespmem:$0x1080] =	vst v63  }
0x158: {  	v62 =	vld [tilespmem:$0x10];
	_ =	sdelay $0x4  }
0x159: {  	v0 =	vsel vm14, $0x0, v62  }
0x15a: {  	(xrf0) =	vadd.scan.msk.s32 $0xffff, v0;
	_ =	sdelay $0x5  }
0x15b: {  	v0, _, _ =	vpop (xrf0)  }
0x15c: {  	(v2sf) =	vpush v0, $0xF;
	_ =	sdelay $0xe  }
0x15d: {  	s26 =	spop (v2sf)  }
0x15e: {  	s28 =	sld [smem:$0x7FC];
	s8 =	sshll.u32 s26, $0x4  }
0x15f: {  	s8 =	sand.u32 $0x1FFFFFF0, s8  }
0x160: {  	s8 =	sadd.s32 s2, s8  }
0x161: {  	[tilespmem:s28], [sflag:$0x1] =	stream.linear.gather [hbm4b:s8+s3], $0x80, $0x38;
	[tilespmem:$0x1080] =	vst v63  }
0x162: {  	v63 =	vld [tilespmem:$0x10];
	_ =	sdelay $0x4  }
0x163: {  	v0 =	vsel vm15, $0x0, v63  }
0x164: {  	(xrf0) =	vadd.scan.msk.s32 $0xffff, v0;
	_ =	sdelay $0x5  }
0x165: {  	v0, _, _ =	vpop (xrf0)  }
0x166: {  	(v2sf) =	vpush v0, $0xF;
	_ =	sdelay $0xe  }
0x167: {  	s29 =	spop (v2sf)  }
0x168: {  	s30 =	sld [smem:$0x7FD];
	s8 =	sshll.u32 s29, $0x4  }
0x169: {  	s8 =	sand.u32 $0x1FFFFFF0, s8  }
0x16a: {  	s8 =	sadd.s32 s2, s8  }
0x16b: {  	[tilespmem:s30], [sflag:$0x1] =	stream.linear.gather [hbm4b:s8+s3], $0x80, $0x38;
	[tilespmem:$0x1080] =	vst v63  }
0x16c: {  	_ =	swait.ge [sflag:s7], $0x80  }
0x16d: {  	[sflag:s7] =	ssyncset.done $0x0  }
0x16e: {  	[sflag:s7] =	ssyncadd.s32 $0xFFFFFF80  }
0x16f: {  	_ =	swait.ge [sflag:s7], $0x80  }
0x170: {  	[sflag:s7] =	ssyncset.done $0x0  }
0x171: {  	[sflag:s7] =	ssyncadd.s32 $0xFFFFFF80  }
0x172: {  	_ =	swait.ge [sflag:s7], $0x80  }
0x173: {  	[sflag:s7] =	ssyncset.done $0x0  }
0x174: {  	[sflag:s7] =	ssyncadd.s32 $0xFFFFFF80  }
0x175: {  	_ =	swait.ge [sflag:s7], $0x80  }
0x176: {  	[sflag:s7] =	ssyncset.done $0x0  }
0x177: {  	[sflag:s7] =	ssyncadd.s32 $0xFFFFFF80  }
0x178: {  	_ =	swait.ge [sflag:s7], $0x80  }
0x179: {  	[sflag:s7] =	ssyncset.done $0x0  }
0x17a: {  	[sflag:s7] =	ssyncadd.s32 $0xFFFFFF80  }
0x17b: {  	_ =	swait.ge [sflag:s7], $0x80  }
0x17c: {  	[sflag:s7] =	ssyncset.done $0x0  }
0x17d: {  	[sflag:s7] =	ssyncadd.s32 $0xFFFFFF80  }
0x17e: {  	_ =	swait.ge [sflag:s7], $0x80  }
0x17f: {  	[sflag:s7] =	ssyncset.done $0x0  }
0x180: {  	[sflag:s7] =	ssyncadd.s32 $0xFFFFFF80  }
0x181: {  	_ =	swait.ge [sflag:s7], $0x80  }
0x182: {  	[sflag:s7] =	ssyncset.done $0x0  }
0x183: {  	[sflag:s7] =	ssyncadd.s32 $0xFFFFFF80  }
0x184: {  	_ =	swait.ge [sflag:s7], $0x80  }
0x185: {  	[sflag:s7] =	ssyncset.done $0x0  }
0x186: {  	[sflag:s7] =	ssyncadd.s32 $0xFFFFFF80  }
0x187: {  	_ =	swait.ge [sflag:s7], $0x80  }
0x188: {  	[sflag:s7] =	ssyncset.done $0x0  }
0x189: {  	[sflag:s7] =	ssyncadd.s32 $0xFFFFFF80  }
0x18a: {  	_ =	swait.ge [sflag:s7], $0x80  }
0x18b: {  	[sflag:s7] =	ssyncset.done $0x0  }
0x18c: {  	[sflag:s7] =	ssyncadd.s32 $0xFFFFFF80  }
0x18d: {  	_ =	swait.ge [sflag:s7], $0x80  }
0x18e: {  	[sflag:s7] =	ssyncset.done $0x0  }
0x18f: {  	[sflag:s7] =	ssyncadd.s32 $0xFFFFFF80  }
0x190: {  	_ =	swait.ge [sflag:s7], $0x80  }
0x191: {  	[sflag:s7] =	ssyncset.done $0x0  }
0x192: {  	[sflag:s7] =	ssyncadd.s32 $0xFFFFFF80  }
0x193: {  	_ =	swait.ge [sflag:s7], $0x80  }
0x194: {  	[sflag:s7] =	ssyncset.done $0x0  }
0x195: {  	[sflag:s7] =	ssyncadd.s32 $0xFFFFFF80  }
0x196: {  	_ =	swait.ge [sflag:s7], $0x80  }
0x197: {  	[sflag:s7] =	ssyncset.done $0x0  }
0x198: {  	[sflag:s7] =	ssyncadd.s32 $0xFFFFFF80  }
0x199: {  	_ =	swait.ge [sflag:s7], $0x80  }
0x19a: {  	[sflag:s7] =	ssyncset.done $0x0  }
0x19b: {  	[sflag:s7] =	ssyncadd.s32 $0xFFFFFF80  }
0x19c: {  	_ =	swait.ge [sflag:s7], $0x80  }
0x19d: {  	[sflag:s7] =	ssyncset.done $0x0  }
0x19e: {  	[sflag:s7] =	ssyncadd.s32 $0xFFFFFF80  }
0x19f: {  	_ =	swait.ge [sflag:s7], $0x80  }
0x1a0: {  	[sflag:s7] =	ssyncset.done $0x0  }
0x1a1: {  	[sflag:s7] =	ssyncadd.s32 $0xFFFFFF80  }
0x1a2: {  	_ =	swait.ge [sflag:s7], $0x80  }
0x1a3: {  	[sflag:s7] =	ssyncset.done $0x0  }
0x1a4: {  	[sflag:s7] =	ssyncadd.s32 $0xFFFFFF80  }
0x1a5: {  	_ =	swait.ge [sflag:s7], $0x80  }
0x1a6: {  	[sflag:s7] =	ssyncset.done $0x0  }
0x1a7: {  	[sflag:s7] =	ssyncadd.s32 $0xFFFFFF80  }
0x1a8: {  	_ =	swait.ge [sflag:s7], $0x80  }
0x1a9: {  	[sflag:s7] =	ssyncset.done $0x0  }
0x1aa: {  	[sflag:s7] =	ssyncadd.s32 $0xFFFFFF80  }
0x1ab: {  	_ =	swait.ge [sflag:s7], $0x80  }
0x1ac: {  	[sflag:s7] =	ssyncset.done $0x0  }
0x1ad: {  	[sflag:s7] =	ssyncadd.s32 $0xFFFFFF80  }
0x1ae: {  	_ =	swait.ge [sflag:s7], $0x80  }
0x1af: {  	[sflag:s7] =	ssyncset.done $0x0  }
0x1b0: {  	[sflag:s7] =	ssyncadd.s32 $0xFFFFFF80  }
0x1b1: {  	_ =	swait.ge [sflag:s7], $0x80  }
0x1b2: {  	[sflag:s7] =	ssyncset.done $0x0  }
0x1b3: {  	[sflag:s7] =	ssyncadd.s32 $0xFFFFFF80  }
0x1b4: {  	_ =	swait.ge [sflag:s7], $0x80  }
0x1b5: {  	[sflag:s7] =	ssyncset.done $0x0  }
0x1b6: {  	[sflag:s7] =	ssyncadd.s32 $0xFFFFFF80  }
0x1b7: {  	_ =	swait.ge [sflag:s7], $0x80  }
0x1b8: {  	[sflag:s7] =	ssyncset.done $0x0  }
0x1b9: {  	[sflag:s7] =	ssyncadd.s32 $0xFFFFFF80  }
0x1ba: {  	_ =	swait.ge [sflag:s7], $0x80  }
0x1bb: {  	[sflag:s7] =	ssyncset.done $0x0  }
0x1bc: {  	[sflag:s7] =	ssyncadd.s32 $0xFFFFFF80  }
0x1bd: {  	_ =	swait.ge [sflag:s7], $0x80  }
0x1be: {  	[sflag:s7] =	ssyncset.done $0x0  }
0x1bf: {  	[sflag:s7] =	ssyncadd.s32 $0xFFFFFF80  }
0x1c0: {  	_ =	swait.ge [sflag:s7], $0x80  }
0x1c1: {  	[sflag:s7] =	ssyncset.done $0x0  }
0x1c2: {  	[sflag:s7] =	ssyncadd.s32 $0xFFFFFF80  }
0x1c3: {  	_ =	swait.ge [sflag:s7], $0x80  }
0x1c4: {  	[sflag:s7] =	ssyncset.done $0x0  }
0x1c5: {  	[sflag:s7] =	ssyncadd.s32 $0xFFFFFF80  }
0x1c6: {  	_ =	swait.ge [sflag:s7], $0x80  }
0x1c7: {  	[sflag:s7] =	ssyncset.done $0x0  }
0x1c8: {  	[sflag:s7] =	ssyncadd.s32 $0xFFFFFF80  }
0x1c9: {  	_ =	swait.ge [sflag:s7], $0x80  }
0x1ca: {  	p0 =	sne.s32 s4, $0x1;
	[sflag:s7] =	ssyncset.done $0x0  }
.Ltmp0:
0x1cb: {  	s31 =	rddreg [dreg:$0x5];
	[sflag:s7] =	ssyncadd.s32 $0xFFFFFF80;
	(pc) =	sbr.rel @p0 .LBB2_1-.Ltmp0, $4  }
0x1cc: {  	[hbm4b:s31+s3] =	stream.linear.scatter [tilespmem:s6], [sflag:$0x2], $0x1000, $0x38;
	[tilespmem:$0x1080] =	vst v63  }
0x1cd: {  	_ =	swait.ge [sflag:s5], $0x1000  }
0x1ce: {  	[sflag:s5] =	ssyncset.done $0x0  }
0x1cf: {  	s4 =	sadd.s32 $0xFFFFFFFF, s4;
	[sflag:s5] =	ssyncadd.s32 $0xFFFFF000  }
0x1d0: {  	_ =	sfence.sel $0x180000  }
0x1d1: {  	[bflag:$0x0] =	sbarrier.arrive $0xFFFF  }
0x1d2: {  	p0 =	sne.s32 s0, $0x0;
	_ =	strace $0x90000047  }
0x1d3: {  	s0 =	sadd.s32 @!p0 $0x100000, s1;
	[bflag:$0x2] =	sbarrier.arrive $0xFFFF  }
0x1d4: {  	[sflag:s0] =	ssyncadd.tile.s32 @!p0 $0x1;
	_ =	shalt  }
.Lfunc_end2:
_tile_overlayer_lowered:
.L_overlay_start_2:
0x1d5: {  	(tag) =	ssettag $0x2  }
0x1d6: {  	s0 =	rddreg [dreg:$0x0];
	s2 =	stileid.u32  }
0x1d7: {  	s1 =	rddreg [dreg:$0x1];
	p0 =	sne.s32 s2, $0x0  }
0x1d8: {  	s3 =	rddreg [dreg:$0x2];
	[bflag:$0x3] =	sbarrier.arrive $0xFFFF;
	s2 =	simm.s32 @!p0 $0x1C02  }
0x1d9: {  	[timem:s3], [sflag:s2] =	dma.local @!p0 [hbm:s0], s1  }
0x1da: {  	s0 =	simm.s32 @!p0 $0x2  }
0x1db: {  	_ =	swait.ge @!p0 [sflag:s0], s1  }
0x1dc: {  	s1 =	ssub.s32 @!p0 $0x0, s1;
	[sflag:s0] =	ssyncset.done @!p0 $0x0  }
0x1dd: {  	[sflag:s0] =	ssyncadd.s32 @!p0 s1  }
0x1de: {  	[bflag:$0x3] =	sbarrier.arrive $0xFFFF  }
0x1df: {  	_ =	shalt  }

</sc_bundles>
